<compile_context>
chip_gen: v7x
topology: tpu7x:2x2x1
jax: 0.10.2.dev20260603
libtpu: 0.0.44.dev20260713+nightly
codegen_flags: <defaults>
</compile_context>

<pallas_src>
import functools

import jax
import jax.numpy as jnp
from jax import lax
from jax.experimental import pallas as pl
from jax.experimental.pallas import tpu as pltpu
from jax.experimental.pallas import tpu_sc as plsc

NC = 2
NS = 16
NW = NC * NS
CHUNK = 128
NBUF = 4
WAVE = 8


def _sc_mesh():
    return plsc.VectorSubcoreMesh(core_axis_name="c", subcore_axis_name="s")


def _make_deg_kernel(chunks, npad, rows_per_tile):
    @functools.partial(
        pl.kernel,
        out_type=jax.ShapeDtypeStruct((NC, npad, 16), jnp.float32),
        mesh=_sc_mesh(),
        compiler_params=pltpu.CompilerParams(use_tc_tiling_on_sc=False),
        scratch_types=[
            pltpu.VMEM((chunks, CHUNK), jnp.int32),
            pltpu.VMEM((CHUNK, 16), jnp.float32),
            pltpu.VMEM_SHARED((npad, 16), jnp.float32),
            pltpu.SemaphoreType.DMA,
        ],
    )
    def deg_kernel(dst_hbm, ones_hbm, zeros_hbm, out_hbm, dst_v, ones_v, deg_sh,
                   sem):
        c = lax.axis_index("c")
        s = lax.axis_index("s")
        base = s * rows_per_tile
        rows = pl.ds(base, rows_per_tile)
        pltpu.sync_copy(dst_hbm.at[c, s], dst_v)
        pltpu.sync_copy(ones_hbm, ones_v)
        pltpu.sync_copy(zeros_hbm.at[rows], deg_sh.at[rows])
        plsc.subcore_barrier()

        def body(i, carry):
            for b in range(WAVE):
                j = i * WAVE + b
                pltpu.async_copy(ones_v, deg_sh.at[dst_v.at[j]], sem, add=True)
            for b in range(WAVE):
                j = i * WAVE + b
                pltpu.make_async_copy(ones_v, deg_sh.at[dst_v.at[j]], sem).wait()
            return carry

        lax.fori_loop(0, chunks // WAVE, body, 0)
        plsc.subcore_barrier()
        pltpu.sync_copy(deg_sh.at[rows], out_hbm.at[c, rows])

    return deg_kernel


def _make_msg_kernel(chunks, npad, rows_per_tile, d_hid):
    @functools.partial(
        pl.kernel,
        out_type=jax.ShapeDtypeStruct((NC, npad, d_hid), jnp.float32),
        mesh=_sc_mesh(),
        compiler_params=pltpu.CompilerParams(use_tc_tiling_on_sc=False),
        scratch_types=[
            pltpu.VMEM((chunks, CHUNK), jnp.int32),
            pltpu.VMEM((chunks, CHUNK), jnp.int32),
            pltpu.VMEM((NBUF, CHUNK, d_hid), jnp.float32),
            pltpu.VMEM_SHARED((npad, d_hid), jnp.float32),
            pltpu.SemaphoreType.DMA((NBUF,)),
            pltpu.SemaphoreType.DMA((NBUF,)),
        ],
    )
    def msg_kernel(src_hbm, dst_hbm, g_hbm, zeros_hbm, out_hbm,
                   src_v, dst_v, rows_v, acc_sh, gsem, ssem):
        c = lax.axis_index("c")
        s = lax.axis_index("s")
        base = s * rows_per_tile
        rows = pl.ds(base, rows_per_tile)
        pltpu.sync_copy(src_hbm.at[c, s], src_v)
        pltpu.sync_copy(dst_hbm.at[c, s], dst_v)
        pltpu.sync_copy(zeros_hbm.at[rows], acc_sh.at[rows])
        plsc.subcore_barrier()

        def gather(j, b):
            return pltpu.make_async_copy(
                g_hbm.at[src_v.at[j]], rows_v.at[b], gsem.at[b])

        def scatter(j, b):
            return pltpu.make_async_copy(
                rows_v.at[b], acc_sh.at[dst_v.at[j]], ssem.at[b])

        for b in range(NBUF):
            gather(b, b).start()

        def body(i, carry):
            for b in range(NBUF):
                j = i * NBUF + b
                gather(j, b).wait()
                pltpu.async_copy(rows_v.at[b], acc_sh.at[dst_v.at[j]],
                                 ssem.at[b], add=True)

                @pl.when(j + NBUF < chunks)
                def _():
                    scatter(j, b).wait()
                    gather(j + NBUF, b).start()

            return carry

        lax.fori_loop(0, chunks // NBUF, body, 0)
        for b in range(NBUF):
            scatter(chunks - NBUF + b, b).wait()
        plsc.subcore_barrier()
        pltpu.sync_copy(acc_sh.at[rows], out_hbm.at[c, rows])

    return msg_kernel


def _matmul_body(x_ref, w_ref, h_ref):
    h_ref[...] = jnp.dot(x_ref[...], w_ref[...],
                         preferred_element_type=jnp.float32)


def _scale_body(h_ref, degp_ref, g_ref):
    deg = degp_ref[0] + degp_ref[1]
    dinv = lax.rsqrt(deg[:, 0:1] + 1.0)
    g = h_ref[...] * dinv
    npad = g_ref.shape[0]
    n = g.shape[0]
    g_ref[...] = jnp.concatenate(
        [g, jnp.zeros((npad - n, g.shape[1]), g.dtype)], axis=0)


def _head_body(accp_ref, g_ref, degp_ref, bc_ref, wlt_ref, bl_ref, out_ref):
    deg = degp_ref[0] + degp_ref[1]
    dinv = lax.rsqrt(deg[:, 0:1] + 1.0)
    z = (accp_ref[0] + accp_ref[1] + g_ref[...]) * dinv + bc_ref[...]
    zr = jnp.maximum(z, 0.0)
    o = jnp.sum(zr * wlt_ref[...], axis=1, keepdims=True) + bl_ref[...]
    out_ref[...] = jax.nn.sigmoid(o)


def kernel(x, edge_index, W_conv, b_conv, W_lin, b_lin):
    n = x.shape[0]
    d_in = x.shape[1]
    d_hid = W_conv.shape[1]
    e = edge_index.shape[1]

    rows_per_tile = pl.cdiv(n, NS * 8) * 8
    npad = rows_per_tile * NS
    chunks = pl.cdiv(pl.cdiv(e, NW), CHUNK * WAVE) * WAVE
    epad = NW * chunks * CHUNK
    src = edge_index[0].astype(jnp.int32)
    dst = edge_index[1].astype(jnp.int32)
    pad = n + jnp.arange(epad - e, dtype=jnp.int32) % (npad - n)
    src4 = jnp.concatenate([src, pad]).reshape(NC, NS, chunks, CHUNK)
    dst4 = jnp.concatenate([dst, pad]).reshape(NC, NS, chunks, CHUNK)

    ones16 = jnp.ones((CHUNK, 16), jnp.float32)
    zeros16 = jnp.zeros((npad, 16), jnp.float32)
    zeros_hid = jnp.zeros((npad, d_hid), jnp.float32)

    h = pl.pallas_call(
        _matmul_body,
        grid=(1,),
        in_specs=[
            pl.BlockSpec((n, d_in), lambda i: (0, 0)),
            pl.BlockSpec((d_in, d_hid), lambda i: (0, 0)),
        ],
        out_specs=pl.BlockSpec((n, d_hid), lambda i: (0, 0)),
        out_shape=jax.ShapeDtypeStruct((n, d_hid), jnp.float32),
    )(x, W_conv)

    degp = _make_deg_kernel(chunks, npad, rows_per_tile)(dst4, ones16, zeros16)

    g = pl.pallas_call(
        _scale_body,
        grid=(1,),
        in_specs=[
            pl.BlockSpec((n, d_hid), lambda i: (0, 0)),
            pl.BlockSpec((NC, n, 16), lambda i: (0, 0, 0)),
        ],
        out_specs=pl.BlockSpec((npad, d_hid), lambda i: (0, 0)),
        out_shape=jax.ShapeDtypeStruct((npad, d_hid), jnp.float32),
    )(h, degp)

    accp = _make_msg_kernel(chunks, npad, rows_per_tile, d_hid)(
        src4, dst4, g, zeros_hid)

    out = pl.pallas_call(
        _head_body,
        grid=(1,),
        in_specs=[
            pl.BlockSpec((NC, n, d_hid), lambda i: (0, 0, 0)),
            pl.BlockSpec((n, d_hid), lambda i: (0, 0)),
            pl.BlockSpec((NC, n, 16), lambda i: (0, 0, 0)),
            pl.BlockSpec((1, d_hid), lambda i: (0, 0)),
            pl.BlockSpec((1, d_hid), lambda i: (0, 0)),
            pl.BlockSpec((1, 1), lambda i: (0, 0)),
        ],
        out_specs=pl.BlockSpec((n, 1), lambda i: (0, 0)),
        out_shape=jax.ShapeDtypeStruct((n, 1), jnp.float32),
    )(accp, g, degp, b_conv.reshape(1, d_hid), W_lin.reshape(1, d_hid),
      b_lin.reshape(1, 1))

    return out

# --- scband reference (transcript-rebuilt; emitter-appended) ---
"""Pipeline reference for scband-gcnclassifier-8280696946778 (READ-ONLY COPY).

The authoritative reference and input builder live on the scoring server;
editing this copy changes nothing except your own understanding.
"""

import jax, jax.numpy as jnp
import numpy as np

N_NODES = 10000
N_EDGES = 640000
D_IN = 128
D_HID = D_IN // 2  # 64


def setup_inputs(seed: int = 0) -> dict:
    key = jax.random.key(seed)
    k1, k2, k3, k4, k5, k6 = jax.random.split(key, 6)
    x = jax.random.normal(k1, (N_NODES, D_IN), dtype=jnp.float32)
    edge_index = jax.random.randint(k2, (2, N_EDGES), 0, N_NODES, dtype=jnp.int64)
    # GCNConv weight (glorot) and bias
    limit = float(np.sqrt(6.0 / (D_IN + D_HID)))
    W_conv = jax.random.uniform(k3, (D_IN, D_HID), minval=-limit, maxval=limit, dtype=jnp.float32)
    b_conv = jnp.zeros((D_HID,), dtype=jnp.float32)
    # Linear layer (kaiming-uniform-ish)
    lim2 = float(1.0 / np.sqrt(D_HID))
    W_lin = jax.random.uniform(k4, (D_HID, 1), minval=-lim2, maxval=lim2, dtype=jnp.float32)
    b_lin = jax.random.uniform(k5, (1,), minval=-lim2, maxval=lim2, dtype=jnp.float32)
    return {"x": x, "edge_index": edge_index, "W_conv": W_conv, "b_conv": b_conv, "W_lin": W_lin, "b_lin": b_lin}


def _gcn_conv(x, edge_index, W, b):
    N = x.shape[0]
    src = edge_index[0]
    dst = edge_index[1]
    # add self loops (PyG GCNConv default)
    loop = jnp.arange(N, dtype=edge_index.dtype)
    src = jnp.concatenate([src, loop])
    dst = jnp.concatenate([dst, loop])
    # symmetric normalization based on in-degree (col) after self-loops
    deg = jnp.zeros((N,), dtype=x.dtype).at[dst].add(1.0)
    deg_inv_sqrt = jnp.where(deg > 0, 1.0 / jnp.sqrt(deg), 0.0)
    norm = deg_inv_sqrt[src] * deg_inv_sqrt[dst]
    # linear transform then message passing (gather -> scale -> scatter-add)
    h = x @ W
    msg = jnp.take(h, src, axis=0) * norm[:, None]
    out = jnp.zeros((N, h.shape[1]), dtype=x.dtype).at[dst].add(msg)
    return out + b


def reference(x, edge_index, W_conv, b_conv, W_lin, b_lin):
    h = _gcn_conv(x, edge_index, W_conv, b_conv)
    h = jax.nn.relu(h)
    h = h @ W_lin + b_lin
    return jax.nn.sigmoid(h)

if __name__ == "__main__":
    import jax
    _d = setup_inputs()
    print(jax.jit(kernel)(*tuple(_d.values())))

</pallas_src>

<mosaic_0001>
#map = affine_map<(d0, d1) -> (0, 0, 0, 0)>
#map1 = affine_map<(d0, d1) -> (0, 0)>
#map2 = affine_map<(d0, d1) -> (0, 0, 0)>
module attributes {stable_mosaic.version = 14 : i64} {
  func.func @deg_kernel(%arg0: i32, %arg1: i32, %arg2: memref<2x16x160x128xi32, #tpu.memory_space<hbm>>, %arg3: memref<128x16xf32, #tpu.memory_space<hbm>>, %arg4: memref<10112x16xf32, #tpu.memory_space<hbm>>, %arg5: memref<2x10112x16xf32, #tpu.memory_space<hbm>>, %arg6: memref<160x128xi32, #tpu.memory_space<vmem>>, %arg7: memref<128x16xf32, #tpu.memory_space<vmem>>, %arg8: memref<10112x16xf32, #tpu.memory_space<vmem_shared>>, %arg9: memref<!tpu.dma_semaphore, #tpu.memory_space<semaphore_mem>>) attributes {dimension_semantics = [#tpu.dimension_semantics<core_parallel>, #tpu.dimension_semantics<subcore_parallel>], iteration_bounds = array<i64: 2, 16>, scalar_prefetch = 0 : i64, scratch_operands = 4 : i64, tpu.core_type = #tpu.core_type<sc_vector_subcore>, window_params = [{transform_indices = #map}, {transform_indices = #map1}, {transform_indices = #map1}, {transform_indices = #map2}]} {
    %mul3A = arith.constant 632 : i32
    %mul3A_0 = arith.muli %arg1, %mul3A : i32
    "tpu.region"() ({
      %run_scoped3A = tpu.sem_alloc : memref<!tpu.dma_semaphore, #tpu.memory_space<semaphore_mem>>
      %dma_start3A = arith.constant 0 : i32
      %dma_start3A_7 = arith.constant 0 : i32
      %dma_start3A_8 = tpu.memref_slice %arg2[%arg0, %arg1, %dma_start3A, %dma_start3A_7] : memref<2x16x160x128xi32, #tpu.memory_space<hbm>> -> memref<1x1x160x128xi32, #tpu.memory_space<hbm>>
      %dma_start3A_9 = tpu.memref_squeeze %dma_start3A_8 : memref<1x1x160x128xi32, #tpu.memory_space<hbm>> -> memref<160x128xi32, #tpu.memory_space<hbm>>
      %dma_start3A_10 = arith.constant 0 : i32
      %dma_start3A_11 = arith.constant 0 : i32
      %dma_start3A_12 = tpu.memref_slice %arg2[%arg0, %arg1, %dma_start3A_10, %dma_start3A_11] : memref<2x16x160x128xi32, #tpu.memory_space<hbm>> -> memref<1x1x160x128xi32, #tpu.memory_space<hbm>>
      %dma_start3A_13 = tpu.memref_squeeze %dma_start3A_12 : memref<1x1x160x128xi32, #tpu.memory_space<hbm>> -> memref<160x128xi32, #tpu.memory_space<hbm>>
      tpu.enqueue_dma source(%dma_start3A_13 : memref<160x128xi32, #tpu.memory_space<hbm>>) target(%arg6 : memref<160x128xi32, #tpu.memory_space<vmem>>) target_semaphore(%run_scoped3A : memref<!tpu.dma_semaphore, #tpu.memory_space<semaphore_mem>>)
      %dma_wait3A = arith.constant 0 : i32
      %dma_wait3A_14 = arith.constant 0 : i32
      %dma_wait3A_15 = tpu.memref_slice %arg2[%arg0, %arg1, %dma_wait3A, %dma_wait3A_14] : memref<2x16x160x128xi32, #tpu.memory_space<hbm>> -> memref<1x1x160x128xi32, #tpu.memory_space<hbm>>
      %dma_wait3A_16 = tpu.memref_squeeze %dma_wait3A_15 : memref<1x1x160x128xi32, #tpu.memory_space<hbm>> -> memref<160x128xi32, #tpu.memory_space<hbm>>
      %dma_wait3A_17 = arith.constant 0 : i32
      %dma_wait3A_18 = arith.constant 0 : i32
      %dma_wait3A_19 = tpu.memref_slice %arg2[%arg0, %arg1, %dma_wait3A_17, %dma_wait3A_18] : memref<2x16x160x128xi32, #tpu.memory_space<hbm>> -> memref<1x1x160x128xi32, #tpu.memory_space<hbm>>
      %dma_wait3A_20 = tpu.memref_squeeze %dma_wait3A_19 : memref<1x1x160x128xi32, #tpu.memory_space<hbm>> -> memref<160x128xi32, #tpu.memory_space<hbm>>
      tpu.wait_dma2 semaphore(%run_scoped3A : memref<!tpu.dma_semaphore, #tpu.memory_space<semaphore_mem>>) src(%dma_wait3A_20 : memref<160x128xi32, #tpu.memory_space<hbm>>) dst(%arg6 : memref<160x128xi32, #tpu.memory_space<vmem>>)
      tpu.yield
    }) : () -> ()
    "tpu.region"() ({
      %run_scoped3A = tpu.sem_alloc : memref<!tpu.dma_semaphore, #tpu.memory_space<semaphore_mem>>
      tpu.enqueue_dma source(%arg3 : memref<128x16xf32, #tpu.memory_space<hbm>>) target(%arg7 : memref<128x16xf32, #tpu.memory_space<vmem>>) target_semaphore(%run_scoped3A : memref<!tpu.dma_semaphore, #tpu.memory_space<semaphore_mem>>)
      tpu.wait_dma2 semaphore(%run_scoped3A : memref<!tpu.dma_semaphore, #tpu.memory_space<semaphore_mem>>) src(%arg3 : memref<128x16xf32, #tpu.memory_space<hbm>>) dst(%arg7 : memref<128x16xf32, #tpu.memory_space<vmem>>)
      tpu.yield
    }) : () -> ()
    "tpu.region"() ({
      %run_scoped3A = tpu.sem_alloc : memref<!tpu.dma_semaphore, #tpu.memory_space<semaphore_mem>>
      %dma_start3A = arith.constant 0 : i32
      %dma_start3A_7 = tpu.memref_slice %arg8[%mul3A_0, %dma_start3A] : memref<10112x16xf32, #tpu.memory_space<vmem_shared>> -> memref<632x16xf32, #tpu.memory_space<vmem_shared>>
      %dma_start3A_8 = arith.constant 0 : i32
      %dma_start3A_9 = tpu.memref_slice %arg4[%mul3A_0, %dma_start3A_8] : memref<10112x16xf32, #tpu.memory_space<hbm>> -> memref<632x16xf32, #tpu.memory_space<hbm>>
      tpu.enqueue_dma source(%dma_start3A_9 : memref<632x16xf32, #tpu.memory_space<hbm>>) target(%dma_start3A_7 : memref<632x16xf32, #tpu.memory_space<vmem_shared>>) target_semaphore(%run_scoped3A : memref<!tpu.dma_semaphore, #tpu.memory_space<semaphore_mem>>)
      %dma_wait3A = arith.constant 0 : i32
      %dma_wait3A_10 = tpu.memref_slice %arg8[%mul3A_0, %dma_wait3A] : memref<10112x16xf32, #tpu.memory_space<vmem_shared>> -> memref<632x16xf32, #tpu.memory_space<vmem_shared>>
      %dma_wait3A_11 = arith.constant 0 : i32
      %dma_wait3A_12 = tpu.memref_slice %arg4[%mul3A_0, %dma_wait3A_11] : memref<10112x16xf32, #tpu.memory_space<hbm>> -> memref<632x16xf32, #tpu.memory_space<hbm>>
      tpu.wait_dma2 semaphore(%run_scoped3A : memref<!tpu.dma_semaphore, #tpu.memory_space<semaphore_mem>>) src(%dma_wait3A_12 : memref<632x16xf32, #tpu.memory_space<hbm>>) dst(%dma_wait3A_10 : memref<632x16xf32, #tpu.memory_space<vmem_shared>>)
      tpu.yield
    }) : () -> ()
    %barrier3A = arith.constant 0 : index
    tpu.barrier barrier_id(%barrier3A)
    %scan3A = arith.constant 0 : i32
    %scan3A_1 = arith.constant 0 : i32
    %scan3A_2 = arith.constant 20 : i32
    %scan3A_3 = arith.addi %scan3A_1, %scan3A_2 : i32
    %scan3A_4 = arith.constant 1 : i32
    scf.for %scan3A_7 = %scan3A_1 to %scan3A_3 step %scan3A_4  : i32 {
      %mul3A_8 = arith.constant 8 : i32
      %mul3A_9 = arith.muli %scan3A_7, %mul3A_8 : i32
      %add3A = arith.constant 0 : i32
      %add3A_10 = arith.addi %mul3A_9, %add3A : i32
      %dma_start3A = arith.constant 0 : i32
      %dma_start3A_11 = tpu.memref_slice %arg6[%add3A_10, %dma_start3A] : memref<160x128xi32, #tpu.memory_space<vmem>> -> memref<1x128xi32, #tpu.memory_space<vmem>>
      %dma_start3A_12 = tpu.memref_squeeze %dma_start3A_11 : memref<1x128xi32, #tpu.memory_space<vmem>> -> memref<128xi32, #tpu.memory_space<vmem>>
      %dma_start3A_13 = arith.constant 0 : i32
      %dma_start3A_14 = arith.constant 0 : i32
      %dma_start3A_15 = tpu.memref_slice %arg8[%dma_start3A_13, %dma_start3A_14] : memref<10112x16xf32, #tpu.memory_space<vmem_shared>> -> memref<10112x16xf32, #tpu.memory_space<vmem_shared>>
      tpu.enqueue_indirect_dma source(%arg7 : memref<128x16xf32, #tpu.memory_space<vmem>>) target(%dma_start3A_15 : memref<10112x16xf32, #tpu.memory_space<vmem_shared>>) offsets(%dma_start3A_12 : memref<128xi32, #tpu.memory_space<vmem>>) semaphore(%arg9 : memref<!tpu.dma_semaphore, #tpu.memory_space<semaphore_mem>>) {add = true}
      %mul3A_16 = arith.constant 8 : i32
      %mul3A_17 = arith.muli %scan3A_7, %mul3A_16 : i32
      %add3A_18 = arith.constant 1 : i32
      %add3A_19 = arith.addi %mul3A_17, %add3A_18 : i32
      %dma_start3A_20 = arith.constant 0 : i32
      %dma_start3A_21 = tpu.memref_slice %arg6[%add3A_19, %dma_start3A_20] : memref<160x128xi32, #tpu.memory_space<vmem>> -> memref<1x128xi32, #tpu.memory_space<vmem>>
      %dma_start3A_22 = tpu.memref_squeeze %dma_start3A_21 : memref<1x128xi32, #tpu.memory_space<vmem>> -> memref<128xi32, #tpu.memory_space<vmem>>
      %dma_start3A_23 = arith.constant 0 : i32
      %dma_start3A_24 = arith.constant 0 : i32
      %dma_start3A_25 = tpu.memref_slice %arg8[%dma_start3A_23, %dma_start3A_24] : memref<10112x16xf32, #tpu.memory_space<vmem_shared>> -> memref<10112x16xf32, #tpu.memory_space<vmem_shared>>
      tpu.enqueue_indirect_dma source(%arg7 : memref<128x16xf32, #tpu.memory_space<vmem>>) target(%dma_start3A_25 : memref<10112x16xf32, #tpu.memory_space<vmem_shared>>) offsets(%dma_start3A_22 : memref<128xi32, #tpu.memory_space<vmem>>) semaphore(%arg9 : memref<!tpu.dma_semaphore, #tpu.memory_space<semaphore_mem>>) {add = true}
      %mul3A_26 = arith.constant 8 : i32
      %mul3A_27 = arith.muli %scan3A_7, %mul3A_26 : i32
      %add3A_28 = arith.constant 2 : i32
      %add3A_29 = arith.addi %mul3A_27, %add3A_28 : i32
      %dma_start3A_30 = arith.constant 0 : i32
      %dma_start3A_31 = tpu.memref_slice %arg6[%add3A_29, %dma_start3A_30] : memref<160x128xi32, #tpu.memory_space<vmem>> -> memref<1x128xi32, #tpu.memory_space<vmem>>
      %dma_start3A_32 = tpu.memref_squeeze %dma_start3A_31 : memref<1x128xi32, #tpu.memory_space<vmem>> -> memref<128xi32, #tpu.memory_space<vmem>>
      %dma_start3A_33 = arith.constant 0 : i32
      %dma_start3A_34 = arith.constant 0 : i32
      %dma_start3A_35 = tpu.memref_slice %arg8[%dma_start3A_33, %dma_start3A_34] : memref<10112x16xf32, #tpu.memory_space<vmem_shared>> -> memref<10112x16xf32, #tpu.memory_space<vmem_shared>>
      tpu.enqueue_indirect_dma source(%arg7 : memref<128x16xf32, #tpu.memory_space<vmem>>) target(%dma_start3A_35 : memref<10112x16xf32, #tpu.memory_space<vmem_shared>>) offsets(%dma_start3A_32 : memref<128xi32, #tpu.memory_space<vmem>>) semaphore(%arg9 : memref<!tpu.dma_semaphore, #tpu.memory_space<semaphore_mem>>) {add = true}
      %mul3A_36 = arith.constant 8 : i32
      %mul3A_37 = arith.muli %scan3A_7, %mul3A_36 : i32
      %add3A_38 = arith.constant 3 : i32
      %add3A_39 = arith.addi %mul3A_37, %add3A_38 : i32
      %dma_start3A_40 = arith.constant 0 : i32
      %dma_start3A_41 = tpu.memref_slice %arg6[%add3A_39, %dma_start3A_40] : memref<160x128xi32, #tpu.memory_space<vmem>> -> memref<1x128xi32, #tpu.memory_space<vmem>>
      %dma_start3A_42 = tpu.memref_squeeze %dma_start3A_41 : memref<1x128xi32, #tpu.memory_space<vmem>> -> memref<128xi32, #tpu.memory_space<vmem>>
      %dma_start3A_43 = arith.constant 0 : i32
      %dma_start3A_44 = arith.constant 0 : i32
      %dma_start3A_45 = tpu.memref_slice %arg8[%dma_start3A_43, %dma_start3A_44] : memref<10112x16xf32, #tpu.memory_space<vmem_shared>> -> memref<10112x16xf32, #tpu.memory_space<vmem_shared>>
      tpu.enqueue_indirect_dma source(%arg7 : memref<128x16xf32, #tpu.memory_space<vmem>>) target(%dma_start3A_45 : memref<10112x16xf32, #tpu.memory_space<vmem_shared>>) offsets(%dma_start3A_42 : memref<128xi32, #tpu.memory_space<vmem>>) semaphore(%arg9 : memref<!tpu.dma_semaphore, #tpu.memory_space<semaphore_mem>>) {add = true}
      %mul3A_46 = arith.constant 8 : i32
      %mul3A_47 = arith.muli %scan3A_7, %mul3A_46 : i32
      %add3A_48 = arith.constant 4 : i32
      %add3A_49 = arith.addi %mul3A_47, %add3A_48 : i32
      %dma_start3A_50 = arith.constant 0 : i32
      %dma_start3A_51 = tpu.memref_slice %arg6[%add3A_49, %dma_start3A_50] : memref<160x128xi32, #tpu.memory_space<vmem>> -> memref<1x128xi32, #tpu.memory_space<vmem>>
      %dma_start3A_52 = tpu.memref_squeeze %dma_start3A_51 : memref<1x128xi32, #tpu.memory_space<vmem>> -> memref<128xi32, #tpu.memory_space<vmem>>
      %dma_start3A_53 = arith.constant 0 : i32
      %dma_start3A_54 = arith.constant 0 : i32
      %dma_start3A_55 = tpu.memref_slice %arg8[%dma_start3A_53, %dma_start3A_54] : memref<10112x16xf32, #tpu.memory_space<vmem_shared>> -> memref<10112x16xf32, #tpu.memory_space<vmem_shared>>
      tpu.enqueue_indirect_dma source(%arg7 : memref<128x16xf32, #tpu.memory_space<vmem>>) target(%dma_start3A_55 : memref<10112x16xf32, #tpu.memory_space<vmem_shared>>) offsets(%dma_start3A_52 : memref<128xi32, #tpu.memory_space<vmem>>) semaphore(%arg9 : memref<!tpu.dma_semaphore, #tpu.memory_space<semaphore_mem>>) {add = true}
      %mul3A_56 = arith.constant 8 : i32
      %mul3A_57 = arith.muli %scan3A_7, %mul3A_56 : i32
      %add3A_58 = arith.constant 5 : i32
      %add3A_59 = arith.addi %mul3A_57, %add3A_58 : i32
      %dma_start3A_60 = arith.constant 0 : i32
      %dma_start3A_61 = tpu.memref_slice %arg6[%add3A_59, %dma_start3A_60] : memref<160x128xi32, #tpu.memory_space<vmem>> -> memref<1x128xi32, #tpu.memory_space<vmem>>
      %dma_start3A_62 = tpu.memref_squeeze %dma_start3A_61 : memref<1x128xi32, #tpu.memory_space<vmem>> -> memref<128xi32, #tpu.memory_space<vmem>>
      %dma_start3A_63 = arith.constant 0 : i32
      %dma_start3A_64 = arith.constant 0 : i32
      %dma_start3A_65 = tpu.memref_slice %arg8[%dma_start3A_63, %dma_start3A_64] : memref<10112x16xf32, #tpu.memory_space<vmem_shared>> -> memref<10112x16xf32, #tpu.memory_space<vmem_shared>>
      tpu.enqueue_indirect_dma source(%arg7 : memref<128x16xf32, #tpu.memory_space<vmem>>) target(%dma_start3A_65 : memref<10112x16xf32, #tpu.memory_space<vmem_shared>>) offsets(%dma_start3A_62 : memref<128xi32, #tpu.memory_space<vmem>>) semaphore(%arg9 : memref<!tpu.dma_semaphore, #tpu.memory_space<semaphore_mem>>) {add = true}
      %mul3A_66 = arith.constant 8 : i32
      %mul3A_67 = arith.muli %scan3A_7, %mul3A_66 : i32
      %add3A_68 = arith.constant 6 : i32
      %add3A_69 = arith.addi %mul3A_67, %add3A_68 : i32
      %dma_start3A_70 = arith.constant 0 : i32
      %dma_start3A_71 = tpu.memref_slice %arg6[%add3A_69, %dma_start3A_70] : memref<160x128xi32, #tpu.memory_space<vmem>> -> memref<1x128xi32, #tpu.memory_space<vmem>>
      %dma_start3A_72 = tpu.memref_squeeze %dma_start3A_71 : memref<1x128xi32, #tpu.memory_space<vmem>> -> memref<128xi32, #tpu.memory_space<vmem>>
      %dma_start3A_73 = arith.constant 0 : i32
      %dma_start3A_74 = arith.constant 0 : i32
      %dma_start3A_75 = tpu.memref_slice %arg8[%dma_start3A_73, %dma_start3A_74] : memref<10112x16xf32, #tpu.memory_space<vmem_shared>> -> memref<10112x16xf32, #tpu.memory_space<vmem_shared>>
      tpu.enqueue_indirect_dma source(%arg7 : memref<128x16xf32, #tpu.memory_space<vmem>>) target(%dma_start3A_75 : memref<10112x16xf32, #tpu.memory_space<vmem_shared>>) offsets(%dma_start3A_72 : memref<128xi32, #tpu.memory_space<vmem>>) semaphore(%arg9 : memref<!tpu.dma_semaphore, #tpu.memory_space<semaphore_mem>>) {add = true}
      %mul3A_76 = arith.constant 8 : i32
      %mul3A_77 = arith.muli %scan3A_7, %mul3A_76 : i32
      %add3A_78 = arith.constant 7 : i32
      %add3A_79 = arith.addi %mul3A_77, %add3A_78 : i32
      %dma_start3A_80 = arith.constant 0 : i32
      %dma_start3A_81 = tpu.memref_slice %arg6[%add3A_79, %dma_start3A_80] : memref<160x128xi32, #tpu.memory_space<vmem>> -> memref<1x128xi32, #tpu.memory_space<vmem>>
      %dma_start3A_82 = tpu.memref_squeeze %dma_start3A_81 : memref<1x128xi32, #tpu.memory_space<vmem>> -> memref<128xi32, #tpu.memory_space<vmem>>
      %dma_start3A_83 = arith.constant 0 : i32
      %dma_start3A_84 = arith.constant 0 : i32
      %dma_start3A_85 = tpu.memref_slice %arg8[%dma_start3A_83, %dma_start3A_84] : memref<10112x16xf32, #tpu.memory_space<vmem_shared>> -> memref<10112x16xf32, #tpu.memory_space<vmem_shared>>
      tpu.enqueue_indirect_dma source(%arg7 : memref<128x16xf32, #tpu.memory_space<vmem>>) target(%dma_start3A_85 : memref<10112x16xf32, #tpu.memory_space<vmem_shared>>) offsets(%dma_start3A_82 : memref<128xi32, #tpu.memory_space<vmem>>) semaphore(%arg9 : memref<!tpu.dma_semaphore, #tpu.memory_space<semaphore_mem>>) {add = true}
      %mul3A_86 = arith.constant 8 : i32
      %mul3A_87 = arith.muli %scan3A_7, %mul3A_86 : i32
      %add3A_88 = arith.constant 0 : i32
      %add3A_89 = arith.addi %mul3A_87, %add3A_88 : i32
      %dma_wait3A = arith.constant 0 : i32
      %dma_wait3A_90 = tpu.memref_slice %arg6[%add3A_89, %dma_wait3A] : memref<160x128xi32, #tpu.memory_space<vmem>> -> memref<1x128xi32, #tpu.memory_space<vmem>>
      %dma_wait3A_91 = tpu.memref_squeeze %dma_wait3A_90 : memref<1x128xi32, #tpu.memory_space<vmem>> -> memref<128xi32, #tpu.memory_space<vmem>>
      %dma_wait3A_92 = arith.constant 0 : i32
      %dma_wait3A_93 = arith.constant 0 : i32
      %dma_wait3A_94 = tpu.memref_slice %arg8[%dma_wait3A_92, %dma_wait3A_93] : memref<10112x16xf32, #tpu.memory_space<vmem_shared>> -> memref<10112x16xf32, #tpu.memory_space<vmem_shared>>
      tpu.wait_indirect_dma semaphore(%arg9 : memref<!tpu.dma_semaphore, #tpu.memory_space<semaphore_mem>>) src(%arg7 : memref<128x16xf32, #tpu.memory_space<vmem>>) dst(%dma_wait3A_94 : memref<10112x16xf32, #tpu.memory_space<vmem_shared>>)
      %mul3A_95 = arith.constant 8 : i32
      %mul3A_96 = arith.muli %scan3A_7, %mul3A_95 : i32
      %add3A_97 = arith.constant 1 : i32
      %add3A_98 = arith.addi %mul3A_96, %add3A_97 : i32
      %dma_wait3A_99 = arith.constant 0 : i32
      %dma_wait3A_100 = tpu.memref_slice %arg6[%add3A_98, %dma_wait3A_99] : memref<160x128xi32, #tpu.memory_space<vmem>> -> memref<1x128xi32, #tpu.memory_space<vmem>>
      %dma_wait3A_101 = tpu.memref_squeeze %dma_wait3A_100 : memref<1x128xi32, #tpu.memory_space<vmem>> -> memref<128xi32, #tpu.memory_space<vmem>>
      %dma_wait3A_102 = arith.constant 0 : i32
      %dma_wait3A_103 = arith.constant 0 : i32
      %dma_wait3A_104 = tpu.memref_slice %arg8[%dma_wait3A_102, %dma_wait3A_103] : memref<10112x16xf32, #tpu.memory_space<vmem_shared>> -> memref<10112x16xf32, #tpu.memory_space<vmem_shared>>
      tpu.wait_indirect_dma semaphore(%arg9 : memref<!tpu.dma_semaphore, #tpu.memory_space<semaphore_mem>>) src(%arg7 : memref<128x16xf32, #tpu.memory_space<vmem>>) dst(%dma_wait3A_104 : memref<10112x16xf32, #tpu.memory_space<vmem_shared>>)
      %mul3A_105 = arith.constant 8 : i32
      %mul3A_106 = arith.muli %scan3A_7, %mul3A_105 : i32
      %add3A_107 = arith.constant 2 : i32
      %add3A_108 = arith.addi %mul3A_106, %add3A_107 : i32
      %dma_wait3A_109 = arith.constant 0 : i32
      %dma_wait3A_110 = tpu.memref_slice %arg6[%add3A_108, %dma_wait3A_109] : memref<160x128xi32, #tpu.memory_space<vmem>> -> memref<1x128xi32, #tpu.memory_space<vmem>>
      %dma_wait3A_111 = tpu.memref_squeeze %dma_wait3A_110 : memref<1x128xi32, #tpu.memory_space<vmem>> -> memref<128xi32, #tpu.memory_space<vmem>>
      %dma_wait3A_112 = arith.constant 0 : i32
      %dma_wait3A_113 = arith.constant 0 : i32
      %dma_wait3A_114 = tpu.memref_slice %arg8[%dma_wait3A_112, %dma_wait3A_113] : memref<10112x16xf32, #tpu.memory_space<vmem_shared>> -> memref<10112x16xf32, #tpu.memory_space<vmem_shared>>
      tpu.wait_indirect_dma semaphore(%arg9 : memref<!tpu.dma_semaphore, #tpu.memory_space<semaphore_mem>>) src(%arg7 : memref<128x16xf32, #tpu.memory_space<vmem>>) dst(%dma_wait3A_114 : memref<10112x16xf32, #tpu.memory_space<vmem_shared>>)
      %mul3A_115 = arith.constant 8 : i32
      %mul3A_116 = arith.muli %scan3A_7, %mul3A_115 : i32
      %add3A_117 = arith.constant 3 : i32
      %add3A_118 = arith.addi %mul3A_116, %add3A_117 : i32
      %dma_wait3A_119 = arith.constant 0 : i32
      %dma_wait3A_120 = tpu.memref_slice %arg6[%add3A_118, %dma_wait3A_119] : memref<160x128xi32, #tpu.memory_space<vmem>> -> memref<1x128xi32, #tpu.memory_space<vmem>>
      %dma_wait3A_121 = tpu.memref_squeeze %dma_wait3A_120 : memref<1x128xi32, #tpu.memory_space<vmem>> -> memref<128xi32, #tpu.memory_space<vmem>>
      %dma_wait3A_122 = arith.constant 0 : i32
      %dma_wait3A_123 = arith.constant 0 : i32
      %dma_wait3A_124 = tpu.memref_slice %arg8[%dma_wait3A_122, %dma_wait3A_123] : memref<10112x16xf32, #tpu.memory_space<vmem_shared>> -> memref<10112x16xf32, #tpu.memory_space<vmem_shared>>
      tpu.wait_indirect_dma semaphore(%arg9 : memref<!tpu.dma_semaphore, #tpu.memory_space<semaphore_mem>>) src(%arg7 : memref<128x16xf32, #tpu.memory_space<vmem>>) dst(%dma_wait3A_124 : memref<10112x16xf32, #tpu.memory_space<vmem_shared>>)
      %mul3A_125 = arith.constant 8 : i32
      %mul3A_126 = arith.muli %scan3A_7, %mul3A_125 : i32
      %add3A_127 = arith.constant 4 : i32
      %add3A_128 = arith.addi %mul3A_126, %add3A_127 : i32
      %dma_wait3A_129 = arith.constant 0 : i32
      %dma_wait3A_130 = tpu.memref_slice %arg6[%add3A_128, %dma_wait3A_129] : memref<160x128xi32, #tpu.memory_space<vmem>> -> memref<1x128xi32, #tpu.memory_space<vmem>>
      %dma_wait3A_131 = tpu.memref_squeeze %dma_wait3A_130 : memref<1x128xi32, #tpu.memory_space<vmem>> -> memref<128xi32, #tpu.memory_space<vmem>>
      %dma_wait3A_132 = arith.constant 0 : i32
      %dma_wait3A_133 = arith.constant 0 : i32
      %dma_wait3A_134 = tpu.memref_slice %arg8[%dma_wait3A_132, %dma_wait3A_133] : memref<10112x16xf32, #tpu.memory_space<vmem_shared>> -> memref<10112x16xf32, #tpu.memory_space<vmem_shared>>
      tpu.wait_indirect_dma semaphore(%arg9 : memref<!tpu.dma_semaphore, #tpu.memory_space<semaphore_mem>>) src(%arg7 : memref<128x16xf32, #tpu.memory_space<vmem>>) dst(%dma_wait3A_134 : memref<10112x16xf32, #tpu.memory_space<vmem_shared>>)
      %mul3A_135 = arith.constant 8 : i32
      %mul3A_136 = arith.muli %scan3A_7, %mul3A_135 : i32
      %add3A_137 = arith.constant 5 : i32
      %add3A_138 = arith.addi %mul3A_136, %add3A_137 : i32
      %dma_wait3A_139 = arith.constant 0 : i32
      %dma_wait3A_140 = tpu.memref_slice %arg6[%add3A_138, %dma_wait3A_139] : memref<160x128xi32, #tpu.memory_space<vmem>> -> memref<1x128xi32, #tpu.memory_space<vmem>>
      %dma_wait3A_141 = tpu.memref_squeeze %dma_wait3A_140 : memref<1x128xi32, #tpu.memory_space<vmem>> -> memref<128xi32, #tpu.memory_space<vmem>>
      %dma_wait3A_142 = arith.constant 0 : i32
      %dma_wait3A_143 = arith.constant 0 : i32
      %dma_wait3A_144 = tpu.memref_slice %arg8[%dma_wait3A_142, %dma_wait3A_143] : memref<10112x16xf32, #tpu.memory_space<vmem_shared>> -> memref<10112x16xf32, #tpu.memory_space<vmem_shared>>
      tpu.wait_indirect_dma semaphore(%arg9 : memref<!tpu.dma_semaphore, #tpu.memory_space<semaphore_mem>>) src(%arg7 : memref<128x16xf32, #tpu.memory_space<vmem>>) dst(%dma_wait3A_144 : memref<10112x16xf32, #tpu.memory_space<vmem_shared>>)
      %mul3A_145 = arith.constant 8 : i32
      %mul3A_146 = arith.muli %scan3A_7, %mul3A_145 : i32
      %add3A_147 = arith.constant 6 : i32
      %add3A_148 = arith.addi %mul3A_146, %add3A_147 : i32
      %dma_wait3A_149 = arith.constant 0 : i32
      %dma_wait3A_150 = tpu.memref_slice %arg6[%add3A_148, %dma_wait3A_149] : memref<160x128xi32, #tpu.memory_space<vmem>> -> memref<1x128xi32, #tpu.memory_space<vmem>>
      %dma_wait3A_151 = tpu.memref_squeeze %dma_wait3A_150 : memref<1x128xi32, #tpu.memory_space<vmem>> -> memref<128xi32, #tpu.memory_space<vmem>>
      %dma_wait3A_152 = arith.constant 0 : i32
      %dma_wait3A_153 = arith.constant 0 : i32
      %dma_wait3A_154 = tpu.memref_slice %arg8[%dma_wait3A_152, %dma_wait3A_153] : memref<10112x16xf32, #tpu.memory_space<vmem_shared>> -> memref<10112x16xf32, #tpu.memory_space<vmem_shared>>
      tpu.wait_indirect_dma semaphore(%arg9 : memref<!tpu.dma_semaphore, #tpu.memory_space<semaphore_mem>>) src(%arg7 : memref<128x16xf32, #tpu.memory_space<vmem>>) dst(%dma_wait3A_154 : memref<10112x16xf32, #tpu.memory_space<vmem_shared>>)
      %mul3A_155 = arith.constant 8 : i32
      %mul3A_156 = arith.muli %scan3A_7, %mul3A_155 : i32
      %add3A_157 = arith.constant 7 : i32
      %add3A_158 = arith.addi %mul3A_156, %add3A_157 : i32
      %dma_wait3A_159 = arith.constant 0 : i32
      %dma_wait3A_160 = tpu.memref_slice %arg6[%add3A_158, %dma_wait3A_159] : memref<160x128xi32, #tpu.memory_space<vmem>> -> memref<1x128xi32, #tpu.memory_space<vmem>>
      %dma_wait3A_161 = tpu.memref_squeeze %dma_wait3A_160 : memref<1x128xi32, #tpu.memory_space<vmem>> -> memref<128xi32, #tpu.memory_space<vmem>>
      %dma_wait3A_162 = arith.constant 0 : i32
      %dma_wait3A_163 = arith.constant 0 : i32
      %dma_wait3A_164 = tpu.memref_slice %arg8[%dma_wait3A_162, %dma_wait3A_163] : memref<10112x16xf32, #tpu.memory_space<vmem_shared>> -> memref<10112x16xf32, #tpu.memory_space<vmem_shared>>
      tpu.wait_indirect_dma semaphore(%arg9 : memref<!tpu.dma_semaphore, #tpu.memory_space<semaphore_mem>>) src(%arg7 : memref<128x16xf32, #tpu.memory_space<vmem>>) dst(%dma_wait3A_164 : memref<10112x16xf32, #tpu.memory_space<vmem_shared>>)
    }
    %scan3A_5 = arith.constant 20 : i32
    %barrier3A_6 = arith.constant 0 : index
    tpu.barrier barrier_id(%barrier3A_6)
    "tpu.region"() ({
      %run_scoped3A = tpu.sem_alloc : memref<!tpu.dma_semaphore, #tpu.memory_space<semaphore_mem>>
      %dma_start3A = arith.constant 0 : i32
      %dma_start3A_7 = tpu.memref_slice %arg5[%arg0, %mul3A_0, %dma_start3A] : memref<2x10112x16xf32, #tpu.memory_space<hbm>> -> memref<1x632x16xf32, #tpu.memory_space<hbm>>
      %dma_start3A_8 = tpu.memref_squeeze %dma_start3A_7 : memref<1x632x16xf32, #tpu.memory_space<hbm>> -> memref<632x16xf32, #tpu.memory_space<hbm>>
      %dma_start3A_9 = arith.constant 0 : i32
      %dma_start3A_10 = tpu.memref_slice %arg8[%mul3A_0, %dma_start3A_9] : memref<10112x16xf32, #tpu.memory_space<vmem_shared>> -> memref<632x16xf32, #tpu.memory_space<vmem_shared>>
      tpu.enqueue_dma source(%dma_start3A_10 : memref<632x16xf32, #tpu.memory_space<vmem_shared>>) target(%dma_start3A_8 : memref<632x16xf32, #tpu.memory_space<hbm>>) target_semaphore(%run_scoped3A : memref<!tpu.dma_semaphore, #tpu.memory_space<semaphore_mem>>)
      %dma_wait3A = arith.constant 0 : i32
      %dma_wait3A_11 = tpu.memref_slice %arg5[%arg0, %mul3A_0, %dma_wait3A] : memref<2x10112x16xf32, #tpu.memory_space<hbm>> -> memref<1x632x16xf32, #tpu.memory_space<hbm>>
      %dma_wait3A_12 = tpu.memref_squeeze %dma_wait3A_11 : memref<1x632x16xf32, #tpu.memory_space<hbm>> -> memref<632x16xf32, #tpu.memory_space<hbm>>
      %dma_wait3A_13 = arith.constant 0 : i32
      %dma_wait3A_14 = tpu.memref_slice %arg8[%mul3A_0, %dma_wait3A_13] : memref<10112x16xf32, #tpu.memory_space<vmem_shared>> -> memref<632x16xf32, #tpu.memory_space<vmem_shared>>
      tpu.wait_dma2 semaphore(%run_scoped3A : memref<!tpu.dma_semaphore, #tpu.memory_space<semaphore_mem>>) src(%dma_wait3A_14 : memref<632x16xf32, #tpu.memory_space<vmem_shared>>) dst(%dma_wait3A_12 : memref<632x16xf32, #tpu.memory_space<hbm>>)
      tpu.yield
    }) : () -> ()
    return
  }
}

#map = affine_map<(d0, d1) -> (0, 0, 0, 0)>
#map1 = affine_map<(d0, d1) -> (0, 0)>
#map2 = affine_map<(d0, d1) -> (0, 0, 0)>
module attributes {stable_mosaic.version = 14 : i64} {
  func.func @msg_kernel(%arg0: i32, %arg1: i32, %arg2: memref<2x16x160x128xi32, #tpu.memory_space<hbm>>, %arg3: memref<2x16x160x128xi32, #tpu.memory_space<hbm>>, %arg4: memref<10112x64xf32, #tpu.memory_space<hbm>>, %arg5: memref<10112x64xf32, #tpu.memory_space<hbm>>, %arg6: memref<2x10112x64xf32, #tpu.memory_space<hbm>>, %arg7: memref<160x128xi32, #tpu.memory_space<vmem>>, %arg8: memref<160x128xi32, #tpu.memory_space<vmem>>, %arg9: memref<4x128x64xf32, #tpu.memory_space<vmem>>, %arg10: memref<10112x64xf32, #tpu.memory_space<vmem_shared>>, %arg11: memref<4x!tpu.dma_semaphore, #tpu.memory_space<semaphore_mem>>, %arg12: memref<4x!tpu.dma_semaphore, #tpu.memory_space<semaphore_mem>>) attributes {dimension_semantics = [#tpu.dimension_semantics<core_parallel>, #tpu.dimension_semantics<subcore_parallel>], iteration_bounds = array<i64: 2, 16>, scalar_prefetch = 0 : i64, scratch_operands = 6 : i64, tpu.core_type = #tpu.core_type<sc_vector_subcore>, window_params = [{transform_indices = #map}, {transform_indices = #map}, {transform_indices = #map1}, {transform_indices = #map1}, {transform_indices = #map2}]} {
    %mul3A = arith.constant 632 : i32
    %mul3A_0 = arith.muli %arg1, %mul3A : i32
    "tpu.region"() ({
      %run_scoped3A = tpu.sem_alloc : memref<!tpu.dma_semaphore, #tpu.memory_space<semaphore_mem>>
      %dma_start3A_125 = arith.constant 0 : i32
      %dma_start3A_126 = arith.constant 0 : i32
      %dma_start3A_127 = tpu.memref_slice %arg2[%arg0, %arg1, %dma_start3A_125, %dma_start3A_126] : memref<2x16x160x128xi32, #tpu.memory_space<hbm>> -> memref<1x1x160x128xi32, #tpu.memory_space<hbm>>
      %dma_start3A_128 = tpu.memref_squeeze %dma_start3A_127 : memref<1x1x160x128xi32, #tpu.memory_space<hbm>> -> memref<160x128xi32, #tpu.memory_space<hbm>>
      %dma_start3A_129 = arith.constant 0 : i32
      %dma_start3A_130 = arith.constant 0 : i32
      %dma_start3A_131 = tpu.memref_slice %arg2[%arg0, %arg1, %dma_start3A_129, %dma_start3A_130] : memref<2x16x160x128xi32, #tpu.memory_space<hbm>> -> memref<1x1x160x128xi32, #tpu.memory_space<hbm>>
      %dma_start3A_132 = tpu.memref_squeeze %dma_start3A_131 : memref<1x1x160x128xi32, #tpu.memory_space<hbm>> -> memref<160x128xi32, #tpu.memory_space<hbm>>
      tpu.enqueue_dma source(%dma_start3A_132 : memref<160x128xi32, #tpu.memory_space<hbm>>) target(%arg7 : memref<160x128xi32, #tpu.memory_space<vmem>>) target_semaphore(%run_scoped3A : memref<!tpu.dma_semaphore, #tpu.memory_space<semaphore_mem>>)
      %dma_wait3A_133 = arith.constant 0 : i32
      %dma_wait3A_134 = arith.constant 0 : i32
      %dma_wait3A_135 = tpu.memref_slice %arg2[%arg0, %arg1, %dma_wait3A_133, %dma_wait3A_134] : memref<2x16x160x128xi32, #tpu.memory_space<hbm>> -> memref<1x1x160x128xi32, #tpu.memory_space<hbm>>
      %dma_wait3A_136 = tpu.memref_squeeze %dma_wait3A_135 : memref<1x1x160x128xi32, #tpu.memory_space<hbm>> -> memref<160x128xi32, #tpu.memory_space<hbm>>
      %dma_wait3A_137 = arith.constant 0 : i32
      %dma_wait3A_138 = arith.constant 0 : i32
      %dma_wait3A_139 = tpu.memref_slice %arg2[%arg0, %arg1, %dma_wait3A_137, %dma_wait3A_138] : memref<2x16x160x128xi32, #tpu.memory_space<hbm>> -> memref<1x1x160x128xi32, #tpu.memory_space<hbm>>
      %dma_wait3A_140 = tpu.memref_squeeze %dma_wait3A_139 : memref<1x1x160x128xi32, #tpu.memory_space<hbm>> -> memref<160x128xi32, #tpu.memory_space<hbm>>
      tpu.wait_dma2 semaphore(%run_scoped3A : memref<!tpu.dma_semaphore, #tpu.memory_space<semaphore_mem>>) src(%dma_wait3A_140 : memref<160x128xi32, #tpu.memory_space<hbm>>) dst(%arg7 : memref<160x128xi32, #tpu.memory_space<vmem>>)
      tpu.yield
    }) : () -> ()
    "tpu.region"() ({
      %run_scoped3A = tpu.sem_alloc : memref<!tpu.dma_semaphore, #tpu.memory_space<semaphore_mem>>
      %dma_start3A_125 = arith.constant 0 : i32
      %dma_start3A_126 = arith.constant 0 : i32
      %dma_start3A_127 = tpu.memref_slice %arg3[%arg0, %arg1, %dma_start3A_125, %dma_start3A_126] : memref<2x16x160x128xi32, #tpu.memory_space<hbm>> -> memref<1x1x160x128xi32, #tpu.memory_space<hbm>>
      %dma_start3A_128 = tpu.memref_squeeze %dma_start3A_127 : memref<1x1x160x128xi32, #tpu.memory_space<hbm>> -> memref<160x128xi32, #tpu.memory_space<hbm>>
      %dma_start3A_129 = arith.constant 0 : i32
      %dma_start3A_130 = arith.constant 0 : i32
      %dma_start3A_131 = tpu.memref_slice %arg3[%arg0, %arg1, %dma_start3A_129, %dma_start3A_130] : memref<2x16x160x128xi32, #tpu.memory_space<hbm>> -> memref<1x1x160x128xi32, #tpu.memory_space<hbm>>
      %dma_start3A_132 = tpu.memref_squeeze %dma_start3A_131 : memref<1x1x160x128xi32, #tpu.memory_space<hbm>> -> memref<160x128xi32, #tpu.memory_space<hbm>>
      tpu.enqueue_dma source(%dma_start3A_132 : memref<160x128xi32, #tpu.memory_space<hbm>>) target(%arg8 : memref<160x128xi32, #tpu.memory_space<vmem>>) target_semaphore(%run_scoped3A : memref<!tpu.dma_semaphore, #tpu.memory_space<semaphore_mem>>)
      %dma_wait3A_133 = arith.constant 0 : i32
      %dma_wait3A_134 = arith.constant 0 : i32
      %dma_wait3A_135 = tpu.memref_slice %arg3[%arg0, %arg1, %dma_wait3A_133, %dma_wait3A_134] : memref<2x16x160x128xi32, #tpu.memory_space<hbm>> -> memref<1x1x160x128xi32, #tpu.memory_space<hbm>>
      %dma_wait3A_136 = tpu.memref_squeeze %dma_wait3A_135 : memref<1x1x160x128xi32, #tpu.memory_space<hbm>> -> memref<160x128xi32, #tpu.memory_space<hbm>>
      %dma_wait3A_137 = arith.constant 0 : i32
      %dma_wait3A_138 = arith.constant 0 : i32
      %dma_wait3A_139 = tpu.memref_slice %arg3[%arg0, %arg1, %dma_wait3A_137, %dma_wait3A_138] : memref<2x16x160x128xi32, #tpu.memory_space<hbm>> -> memref<1x1x160x128xi32, #tpu.memory_space<hbm>>
      %dma_wait3A_140 = tpu.memref_squeeze %dma_wait3A_139 : memref<1x1x160x128xi32, #tpu.memory_space<hbm>> -> memref<160x128xi32, #tpu.memory_space<hbm>>
      tpu.wait_dma2 semaphore(%run_scoped3A : memref<!tpu.dma_semaphore, #tpu.memory_space<semaphore_mem>>) src(%dma_wait3A_140 : memref<160x128xi32, #tpu.memory_space<hbm>>) dst(%arg8 : memref<160x128xi32, #tpu.memory_space<vmem>>)
      tpu.yield
    }) : () -> ()
    "tpu.region"() ({
      %run_scoped3A = tpu.sem_alloc : memref<!tpu.dma_semaphore, #tpu.memory_space<semaphore_mem>>
      %dma_start3A_125 = arith.constant 0 : i32
      %dma_start3A_126 = tpu.memref_slice %arg10[%mul3A_0, %dma_start3A_125] : memref<10112x64xf32, #tpu.memory_space<vmem_shared>> -> memref<632x64xf32, #tpu.memory_space<vmem_shared>>
      %dma_start3A_127 = arith.constant 0 : i32
      %dma_start3A_128 = tpu.memref_slice %arg5[%mul3A_0, %dma_start3A_127] : memref<10112x64xf32, #tpu.memory_space<hbm>> -> memref<632x64xf32, #tpu.memory_space<hbm>>
      tpu.enqueue_dma source(%dma_start3A_128 : memref<632x64xf32, #tpu.memory_space<hbm>>) target(%dma_start3A_126 : memref<632x64xf32, #tpu.memory_space<vmem_shared>>) target_semaphore(%run_scoped3A : memref<!tpu.dma_semaphore, #tpu.memory_space<semaphore_mem>>)
      %dma_wait3A_129 = arith.constant 0 : i32
      %dma_wait3A_130 = tpu.memref_slice %arg10[%mul3A_0, %dma_wait3A_129] : memref<10112x64xf32, #tpu.memory_space<vmem_shared>> -> memref<632x64xf32, #tpu.memory_space<vmem_shared>>
      %dma_wait3A_131 = arith.constant 0 : i32
      %dma_wait3A_132 = tpu.memref_slice %arg5[%mul3A_0, %dma_wait3A_131] : memref<10112x64xf32, #tpu.memory_space<hbm>> -> memref<632x64xf32, #tpu.memory_space<hbm>>
      tpu.wait_dma2 semaphore(%run_scoped3A : memref<!tpu.dma_semaphore, #tpu.memory_space<semaphore_mem>>) src(%dma_wait3A_132 : memref<632x64xf32, #tpu.memory_space<hbm>>) dst(%dma_wait3A_130 : memref<632x64xf32, #tpu.memory_space<vmem_shared>>)
      tpu.yield
    }) : () -> ()
    %barrier3A = arith.constant 0 : index
    tpu.barrier barrier_id(%barrier3A)
    %dma_start3A = arith.constant 0 : i32
    %dma_start3A_1 = arith.constant 0 : i32
    %dma_start3A_2 = arith.constant 0 : i32
    %dma_start3A_3 = arith.constant 0 : i32
    %dma_start3A_4 = arith.constant 0 : i32
    %dma_start3A_5 = tpu.memref_slice %arg9[%dma_start3A_1, %dma_start3A_3, %dma_start3A_4] : memref<4x128x64xf32, #tpu.memory_space<vmem>> -> memref<1x128x64xf32, #tpu.memory_space<vmem>>
    %dma_start3A_6 = tpu.memref_squeeze %dma_start3A_5 : memref<1x128x64xf32, #tpu.memory_space<vmem>> -> memref<128x64xf32, #tpu.memory_space<vmem>>
    %dma_start3A_7 = arith.constant 0 : i32
    %dma_start3A_8 = tpu.memref_slice %arg7[%dma_start3A, %dma_start3A_7] : memref<160x128xi32, #tpu.memory_space<vmem>> -> memref<1x128xi32, #tpu.memory_space<vmem>>
    %dma_start3A_9 = tpu.memref_squeeze %dma_start3A_8 : memref<1x128xi32, #tpu.memory_space<vmem>> -> memref<128xi32, #tpu.memory_space<vmem>>
    %dma_start3A_10 = arith.constant 0 : i32
    %dma_start3A_11 = arith.constant 0 : i32
    %dma_start3A_12 = tpu.memref_slice %arg4[%dma_start3A_10, %dma_start3A_11] : memref<10112x64xf32, #tpu.memory_space<hbm>> -> memref<10112x64xf32, #tpu.memory_space<hbm>>
    %dma_start3A_13 = tpu.memref_slice %arg11[%dma_start3A_2] : memref<4x!tpu.dma_semaphore, #tpu.memory_space<semaphore_mem>> -> memref<1x!tpu.dma_semaphore, #tpu.memory_space<semaphore_mem>>
    %dma_start3A_14 = tpu.memref_squeeze %dma_start3A_13 : memref<1x!tpu.dma_semaphore, #tpu.memory_space<semaphore_mem>> -> memref<!tpu.dma_semaphore, #tpu.memory_space<semaphore_mem>>
    tpu.enqueue_indirect_dma source(%dma_start3A_12 : memref<10112x64xf32, #tpu.memory_space<hbm>>) target(%dma_start3A_6 : memref<128x64xf32, #tpu.memory_space<vmem>>) offsets(%dma_start3A_9 : memref<128xi32, #tpu.memory_space<vmem>>) semaphore(%dma_start3A_14 : memref<!tpu.dma_semaphore, #tpu.memory_space<semaphore_mem>>)
    %dma_start3A_15 = arith.constant 1 : i32
    %dma_start3A_16 = arith.constant 1 : i32
    %dma_start3A_17 = arith.constant 1 : i32
    %dma_start3A_18 = arith.constant 0 : i32
    %dma_start3A_19 = arith.constant 0 : i32
    %dma_start3A_20 = tpu.memref_slice %arg9[%dma_start3A_16, %dma_start3A_18, %dma_start3A_19] : memref<4x128x64xf32, #tpu.memory_space<vmem>> -> memref<1x128x64xf32, #tpu.memory_space<vmem>>
    %dma_start3A_21 = tpu.memref_squeeze %dma_start3A_20 : memref<1x128x64xf32, #tpu.memory_space<vmem>> -> memref<128x64xf32, #tpu.memory_space<vmem>>
    %dma_start3A_22 = arith.constant 0 : i32
    %dma_start3A_23 = tpu.memref_slice %arg7[%dma_start3A_15, %dma_start3A_22] : memref<160x128xi32, #tpu.memory_space<vmem>> -> memref<1x128xi32, #tpu.memory_space<vmem>>
    %dma_start3A_24 = tpu.memref_squeeze %dma_start3A_23 : memref<1x128xi32, #tpu.memory_space<vmem>> -> memref<128xi32, #tpu.memory_space<vmem>>
    %dma_start3A_25 = arith.constant 0 : i32
    %dma_start3A_26 = arith.constant 0 : i32
    %dma_start3A_27 = tpu.memref_slice %arg4[%dma_start3A_25, %dma_start3A_26] : memref<10112x64xf32, #tpu.memory_space<hbm>> -> memref<10112x64xf32, #tpu.memory_space<hbm>>
    %dma_start3A_28 = tpu.memref_slice %arg11[%dma_start3A_17] : memref<4x!tpu.dma_semaphore, #tpu.memory_space<semaphore_mem>> -> memref<1x!tpu.dma_semaphore, #tpu.memory_space<semaphore_mem>>
    %dma_start3A_29 = tpu.memref_squeeze %dma_start3A_28 : memref<1x!tpu.dma_semaphore, #tpu.memory_space<semaphore_mem>> -> memref<!tpu.dma_semaphore, #tpu.memory_space<semaphore_mem>>
    tpu.enqueue_indirect_dma source(%dma_start3A_27 : memref<10112x64xf32, #tpu.memory_space<hbm>>) target(%dma_start3A_21 : memref<128x64xf32, #tpu.memory_space<vmem>>) offsets(%dma_start3A_24 : memref<128xi32, #tpu.memory_space<vmem>>) semaphore(%dma_start3A_29 : memref<!tpu.dma_semaphore, #tpu.memory_space<semaphore_mem>>)
    %dma_start3A_30 = arith.constant 2 : i32
    %dma_start3A_31 = arith.constant 2 : i32
    %dma_start3A_32 = arith.constant 2 : i32
    %dma_start3A_33 = arith.constant 0 : i32
    %dma_start3A_34 = arith.constant 0 : i32
    %dma_start3A_35 = tpu.memref_slice %arg9[%dma_start3A_31, %dma_start3A_33, %dma_start3A_34] : memref<4x128x64xf32, #tpu.memory_space<vmem>> -> memref<1x128x64xf32, #tpu.memory_space<vmem>>
    %dma_start3A_36 = tpu.memref_squeeze %dma_start3A_35 : memref<1x128x64xf32, #tpu.memory_space<vmem>> -> memref<128x64xf32, #tpu.memory_space<vmem>>
    %dma_start3A_37 = arith.constant 0 : i32
    %dma_start3A_38 = tpu.memref_slice %arg7[%dma_start3A_30, %dma_start3A_37] : memref<160x128xi32, #tpu.memory_space<vmem>> -> memref<1x128xi32, #tpu.memory_space<vmem>>
    %dma_start3A_39 = tpu.memref_squeeze %dma_start3A_38 : memref<1x128xi32, #tpu.memory_space<vmem>> -> memref<128xi32, #tpu.memory_space<vmem>>
    %dma_start3A_40 = arith.constant 0 : i32
    %dma_start3A_41 = arith.constant 0 : i32
    %dma_start3A_42 = tpu.memref_slice %arg4[%dma_start3A_40, %dma_start3A_41] : memref<10112x64xf32, #tpu.memory_space<hbm>> -> memref<10112x64xf32, #tpu.memory_space<hbm>>
    %dma_start3A_43 = tpu.memref_slice %arg11[%dma_start3A_32] : memref<4x!tpu.dma_semaphore, #tpu.memory_space<semaphore_mem>> -> memref<1x!tpu.dma_semaphore, #tpu.memory_space<semaphore_mem>>
    %dma_start3A_44 = tpu.memref_squeeze %dma_start3A_43 : memref<1x!tpu.dma_semaphore, #tpu.memory_space<semaphore_mem>> -> memref<!tpu.dma_semaphore, #tpu.memory_space<semaphore_mem>>
    tpu.enqueue_indirect_dma source(%dma_start3A_42 : memref<10112x64xf32, #tpu.memory_space<hbm>>) target(%dma_start3A_36 : memref<128x64xf32, #tpu.memory_space<vmem>>) offsets(%dma_start3A_39 : memref<128xi32, #tpu.memory_space<vmem>>) semaphore(%dma_start3A_44 : memref<!tpu.dma_semaphore, #tpu.memory_space<semaphore_mem>>)
    %dma_start3A_45 = arith.constant 3 : i32
    %dma_start3A_46 = arith.constant 3 : i32
    %dma_start3A_47 = arith.constant 3 : i32
    %dma_start3A_48 = arith.constant 0 : i32
    %dma_start3A_49 = arith.constant 0 : i32
    %dma_start3A_50 = tpu.memref_slice %arg9[%dma_start3A_46, %dma_start3A_48, %dma_start3A_49] : memref<4x128x64xf32, #tpu.memory_space<vmem>> -> memref<1x128x64xf32, #tpu.memory_space<vmem>>
    %dma_start3A_51 = tpu.memref_squeeze %dma_start3A_50 : memref<1x128x64xf32, #tpu.memory_space<vmem>> -> memref<128x64xf32, #tpu.memory_space<vmem>>
    %dma_start3A_52 = arith.constant 0 : i32
    %dma_start3A_53 = tpu.memref_slice %arg7[%dma_start3A_45, %dma_start3A_52] : memref<160x128xi32, #tpu.memory_space<vmem>> -> memref<1x128xi32, #tpu.memory_space<vmem>>
    %dma_start3A_54 = tpu.memref_squeeze %dma_start3A_53 : memref<1x128xi32, #tpu.memory_space<vmem>> -> memref<128xi32, #tpu.memory_space<vmem>>
    %dma_start3A_55 = arith.constant 0 : i32
    %dma_start3A_56 = arith.constant 0 : i32
    %dma_start3A_57 = tpu.memref_slice %arg4[%dma_start3A_55, %dma_start3A_56] : memref<10112x64xf32, #tpu.memory_space<hbm>> -> memref<10112x64xf32, #tpu.memory_space<hbm>>
    %dma_start3A_58 = tpu.memref_slice %arg11[%dma_start3A_47] : memref<4x!tpu.dma_semaphore, #tpu.memory_space<semaphore_mem>> -> memref<1x!tpu.dma_semaphore, #tpu.memory_space<semaphore_mem>>
    %dma_start3A_59 = tpu.memref_squeeze %dma_start3A_58 : memref<1x!tpu.dma_semaphore, #tpu.memory_space<semaphore_mem>> -> memref<!tpu.dma_semaphore, #tpu.memory_space<semaphore_mem>>
    tpu.enqueue_indirect_dma source(%dma_start3A_57 : memref<10112x64xf32, #tpu.memory_space<hbm>>) target(%dma_start3A_51 : memref<128x64xf32, #tpu.memory_space<vmem>>) offsets(%dma_start3A_54 : memref<128xi32, #tpu.memory_space<vmem>>) semaphore(%dma_start3A_59 : memref<!tpu.dma_semaphore, #tpu.memory_space<semaphore_mem>>)
    %scan3A = arith.constant 0 : i32
    %scan3A_60 = arith.constant 0 : i32
    %scan3A_61 = arith.constant 40 : i32
    %scan3A_62 = arith.addi %scan3A_60, %scan3A_61 : i32
    %scan3A_63 = arith.constant 1 : i32
    scf.for %scan3A_125 = %scan3A_60 to %scan3A_62 step %scan3A_63  : i32 {
      %mul3A_126 = arith.constant 4 : i32
      %mul3A_127 = arith.muli %scan3A_125, %mul3A_126 : i32
      %add3A = arith.constant 0 : i32
      %add3A_128 = arith.addi %mul3A_127, %add3A : i32
      %dma_wait3A_129 = arith.constant 0 : i32
      %dma_wait3A_130 = arith.constant 0 : i32
      %dma_wait3A_131 = arith.constant 0 : i32
      %dma_wait3A_132 = arith.constant 0 : i32
      %dma_wait3A_133 = tpu.memref_slice %arg9[%dma_wait3A_129, %dma_wait3A_131, %dma_wait3A_132] : memref<4x128x64xf32, #tpu.memory_space<vmem>> -> memref<1x128x64xf32, #tpu.memory_space<vmem>>
      %dma_wait3A_134 = tpu.memref_squeeze %dma_wait3A_133 : memref<1x128x64xf32, #tpu.memory_space<vmem>> -> memref<128x64xf32, #tpu.memory_space<vmem>>
      %dma_wait3A_135 = arith.constant 0 : i32
      %dma_wait3A_136 = tpu.memref_slice %arg7[%add3A_128, %dma_wait3A_135] : memref<160x128xi32, #tpu.memory_space<vmem>> -> memref<1x128xi32, #tpu.memory_space<vmem>>
      %dma_wait3A_137 = tpu.memref_squeeze %dma_wait3A_136 : memref<1x128xi32, #tpu.memory_space<vmem>> -> memref<128xi32, #tpu.memory_space<vmem>>
      %dma_wait3A_138 = arith.constant 0 : i32
      %dma_wait3A_139 = arith.constant 0 : i32
      %dma_wait3A_140 = tpu.memref_slice %arg4[%dma_wait3A_138, %dma_wait3A_139] : memref<10112x64xf32, #tpu.memory_space<hbm>> -> memref<10112x64xf32, #tpu.memory_space<hbm>>
      %dma_wait3A_141 = tpu.memref_slice %arg11[%dma_wait3A_130] : memref<4x!tpu.dma_semaphore, #tpu.memory_space<semaphore_mem>> -> memref<1x!tpu.dma_semaphore, #tpu.memory_space<semaphore_mem>>
      %dma_wait3A_142 = tpu.memref_squeeze %dma_wait3A_141 : memref<1x!tpu.dma_semaphore, #tpu.memory_space<semaphore_mem>> -> memref<!tpu.dma_semaphore, #tpu.memory_space<semaphore_mem>>
      tpu.wait_indirect_dma semaphore(%dma_wait3A_142 : memref<!tpu.dma_semaphore, #tpu.memory_space<semaphore_mem>>) src(%dma_wait3A_140 : memref<10112x64xf32, #tpu.memory_space<hbm>>) dst(%dma_wait3A_134 : memref<128x64xf32, #tpu.memory_space<vmem>>)
      %dma_start3A_143 = arith.constant 0 : i32
      %dma_start3A_144 = arith.constant 0 : i32
      %dma_start3A_145 = arith.constant 0 : i32
      %dma_start3A_146 = arith.constant 0 : i32
      %dma_start3A_147 = tpu.memref_slice %arg9[%dma_start3A_143, %dma_start3A_145, %dma_start3A_146] : memref<4x128x64xf32, #tpu.memory_space<vmem>> -> memref<1x128x64xf32, #tpu.memory_space<vmem>>
      %dma_start3A_148 = tpu.memref_squeeze %dma_start3A_147 : memref<1x128x64xf32, #tpu.memory_space<vmem>> -> memref<128x64xf32, #tpu.memory_space<vmem>>
      %dma_start3A_149 = arith.constant 0 : i32
      %dma_start3A_150 = tpu.memref_slice %arg8[%add3A_128, %dma_start3A_149] : memref<160x128xi32, #tpu.memory_space<vmem>> -> memref<1x128xi32, #tpu.memory_space<vmem>>
      %dma_start3A_151 = tpu.memref_squeeze %dma_start3A_150 : memref<1x128xi32, #tpu.memory_space<vmem>> -> memref<128xi32, #tpu.memory_space<vmem>>
      %dma_start3A_152 = arith.constant 0 : i32
      %dma_start3A_153 = arith.constant 0 : i32
      %dma_start3A_154 = tpu.memref_slice %arg10[%dma_start3A_152, %dma_start3A_153] : memref<10112x64xf32, #tpu.memory_space<vmem_shared>> -> memref<10112x64xf32, #tpu.memory_space<vmem_shared>>
      %dma_start3A_155 = tpu.memref_slice %arg12[%dma_start3A_144] : memref<4x!tpu.dma_semaphore, #tpu.memory_space<semaphore_mem>> -> memref<1x!tpu.dma_semaphore, #tpu.memory_space<semaphore_mem>>
      %dma_start3A_156 = tpu.memref_squeeze %dma_start3A_155 : memref<1x!tpu.dma_semaphore, #tpu.memory_space<semaphore_mem>> -> memref<!tpu.dma_semaphore, #tpu.memory_space<semaphore_mem>>
      tpu.enqueue_indirect_dma source(%dma_start3A_148 : memref<128x64xf32, #tpu.memory_space<vmem>>) target(%dma_start3A_154 : memref<10112x64xf32, #tpu.memory_space<vmem_shared>>) offsets(%dma_start3A_151 : memref<128xi32, #tpu.memory_space<vmem>>) semaphore(%dma_start3A_156 : memref<!tpu.dma_semaphore, #tpu.memory_space<semaphore_mem>>) {add = true}
      %add3A_157 = arith.constant 4 : i32
      %add3A_158 = arith.addi %add3A_128, %add3A_157 : i32
      %lt3A = arith.constant 160 : i32
      %lt3A_159 = arith.cmpi slt, %add3A_158, %lt3A : i32
      %convert_element_type3A = arith.extui %lt3A_159 : i1 to i32
      %cond3A = arith.constant 0 : i32
      %cond3A_160 = arith.cmpi ne, %convert_element_type3A, %cond3A : i32
      scf.if %cond3A_160 {
        %dma_wait3A_278 = arith.constant 0 : i32
        %dma_wait3A_279 = arith.constant 0 : i32
        %dma_wait3A_280 = arith.constant 0 : i32
        %dma_wait3A_281 = arith.constant 0 : i32
        %dma_wait3A_282 = tpu.memref_slice %arg9[%dma_wait3A_278, %dma_wait3A_280, %dma_wait3A_281] : memref<4x128x64xf32, #tpu.memory_space<vmem>> -> memref<1x128x64xf32, #tpu.memory_space<vmem>>
        %dma_wait3A_283 = tpu.memref_squeeze %dma_wait3A_282 : memref<1x128x64xf32, #tpu.memory_space<vmem>> -> memref<128x64xf32, #tpu.memory_space<vmem>>
        %dma_wait3A_284 = arith.constant 0 : i32
        %dma_wait3A_285 = tpu.memref_slice %arg8[%add3A_128, %dma_wait3A_284] : memref<160x128xi32, #tpu.memory_space<vmem>> -> memref<1x128xi32, #tpu.memory_space<vmem>>
        %dma_wait3A_286 = tpu.memref_squeeze %dma_wait3A_285 : memref<1x128xi32, #tpu.memory_space<vmem>> -> memref<128xi32, #tpu.memory_space<vmem>>
        %dma_wait3A_287 = arith.constant 0 : i32
        %dma_wait3A_288 = arith.constant 0 : i32
        %dma_wait3A_289 = tpu.memref_slice %arg10[%dma_wait3A_287, %dma_wait3A_288] : memref<10112x64xf32, #tpu.memory_space<vmem_shared>> -> memref<10112x64xf32, #tpu.memory_space<vmem_shared>>
        %dma_wait3A_290 = tpu.memref_slice %arg12[%dma_wait3A_279] : memref<4x!tpu.dma_semaphore, #tpu.memory_space<semaphore_mem>> -> memref<1x!tpu.dma_semaphore, #tpu.memory_space<semaphore_mem>>
        %dma_wait3A_291 = tpu.memref_squeeze %dma_wait3A_290 : memref<1x!tpu.dma_semaphore, #tpu.memory_space<semaphore_mem>> -> memref<!tpu.dma_semaphore, #tpu.memory_space<semaphore_mem>>
        tpu.wait_indirect_dma semaphore(%dma_wait3A_291 : memref<!tpu.dma_semaphore, #tpu.memory_space<semaphore_mem>>) src(%dma_wait3A_283 : memref<128x64xf32, #tpu.memory_space<vmem>>) dst(%dma_wait3A_289 : memref<10112x64xf32, #tpu.memory_space<vmem_shared>>)
        %add3A_292 = arith.constant 4 : i32
        %add3A_293 = arith.addi %add3A_128, %add3A_292 : i32
        %dma_start3A_294 = arith.constant 0 : i32
        %dma_start3A_295 = arith.constant 0 : i32
        %dma_start3A_296 = arith.constant 0 : i32
        %dma_start3A_297 = arith.constant 0 : i32
        %dma_start3A_298 = tpu.memref_slice %arg9[%dma_start3A_294, %dma_start3A_296, %dma_start3A_297] : memref<4x128x64xf32, #tpu.memory_space<vmem>> -> memref<1x128x64xf32, #tpu.memory_space<vmem>>
        %dma_start3A_299 = tpu.memref_squeeze %dma_start3A_298 : memref<1x128x64xf32, #tpu.memory_space<vmem>> -> memref<128x64xf32, #tpu.memory_space<vmem>>
        %dma_start3A_300 = arith.constant 0 : i32
        %dma_start3A_301 = tpu.memref_slice %arg7[%add3A_293, %dma_start3A_300] : memref<160x128xi32, #tpu.memory_space<vmem>> -> memref<1x128xi32, #tpu.memory_space<vmem>>
        %dma_start3A_302 = tpu.memref_squeeze %dma_start3A_301 : memref<1x128xi32, #tpu.memory_space<vmem>> -> memref<128xi32, #tpu.memory_space<vmem>>
        %dma_start3A_303 = arith.constant 0 : i32
        %dma_start3A_304 = arith.constant 0 : i32
        %dma_start3A_305 = tpu.memref_slice %arg4[%dma_start3A_303, %dma_start3A_304] : memref<10112x64xf32, #tpu.memory_space<hbm>> -> memref<10112x64xf32, #tpu.memory_space<hbm>>
        %dma_start3A_306 = tpu.memref_slice %arg11[%dma_start3A_295] : memref<4x!tpu.dma_semaphore, #tpu.memory_space<semaphore_mem>> -> memref<1x!tpu.dma_semaphore, #tpu.memory_space<semaphore_mem>>
        %dma_start3A_307 = tpu.memref_squeeze %dma_start3A_306 : memref<1x!tpu.dma_semaphore, #tpu.memory_space<semaphore_mem>> -> memref<!tpu.dma_semaphore, #tpu.memory_space<semaphore_mem>>
        tpu.enqueue_indirect_dma source(%dma_start3A_305 : memref<10112x64xf32, #tpu.memory_space<hbm>>) target(%dma_start3A_299 : memref<128x64xf32, #tpu.memory_space<vmem>>) offsets(%dma_start3A_302 : memref<128xi32, #tpu.memory_space<vmem>>) semaphore(%dma_start3A_307 : memref<!tpu.dma_semaphore, #tpu.memory_space<semaphore_mem>>)
      } else {
      }
      %mul3A_161 = arith.constant 4 : i32
      %mul3A_162 = arith.muli %scan3A_125, %mul3A_161 : i32
      %add3A_163 = arith.constant 1 : i32
      %add3A_164 = arith.addi %mul3A_162, %add3A_163 : i32
      %dma_wait3A_165 = arith.constant 1 : i32
      %dma_wait3A_166 = arith.constant 1 : i32
      %dma_wait3A_167 = arith.constant 0 : i32
      %dma_wait3A_168 = arith.constant 0 : i32
      %dma_wait3A_169 = tpu.memref_slice %arg9[%dma_wait3A_165, %dma_wait3A_167, %dma_wait3A_168] : memref<4x128x64xf32, #tpu.memory_space<vmem>> -> memref<1x128x64xf32, #tpu.memory_space<vmem>>
      %dma_wait3A_170 = tpu.memref_squeeze %dma_wait3A_169 : memref<1x128x64xf32, #tpu.memory_space<vmem>> -> memref<128x64xf32, #tpu.memory_space<vmem>>
      %dma_wait3A_171 = arith.constant 0 : i32
      %dma_wait3A_172 = tpu.memref_slice %arg7[%add3A_164, %dma_wait3A_171] : memref<160x128xi32, #tpu.memory_space<vmem>> -> memref<1x128xi32, #tpu.memory_space<vmem>>
      %dma_wait3A_173 = tpu.memref_squeeze %dma_wait3A_172 : memref<1x128xi32, #tpu.memory_space<vmem>> -> memref<128xi32, #tpu.memory_space<vmem>>
      %dma_wait3A_174 = arith.constant 0 : i32
      %dma_wait3A_175 = arith.constant 0 : i32
      %dma_wait3A_176 = tpu.memref_slice %arg4[%dma_wait3A_174, %dma_wait3A_175] : memref<10112x64xf32, #tpu.memory_space<hbm>> -> memref<10112x64xf32, #tpu.memory_space<hbm>>
      %dma_wait3A_177 = tpu.memref_slice %arg11[%dma_wait3A_166] : memref<4x!tpu.dma_semaphore, #tpu.memory_space<semaphore_mem>> -> memref<1x!tpu.dma_semaphore, #tpu.memory_space<semaphore_mem>>
      %dma_wait3A_178 = tpu.memref_squeeze %dma_wait3A_177 : memref<1x!tpu.dma_semaphore, #tpu.memory_space<semaphore_mem>> -> memref<!tpu.dma_semaphore, #tpu.memory_space<semaphore_mem>>
      tpu.wait_indirect_dma semaphore(%dma_wait3A_178 : memref<!tpu.dma_semaphore, #tpu.memory_space<semaphore_mem>>) src(%dma_wait3A_176 : memref<10112x64xf32, #tpu.memory_space<hbm>>) dst(%dma_wait3A_170 : memref<128x64xf32, #tpu.memory_space<vmem>>)
      %dma_start3A_179 = arith.constant 1 : i32
      %dma_start3A_180 = arith.constant 1 : i32
      %dma_start3A_181 = arith.constant 0 : i32
      %dma_start3A_182 = arith.constant 0 : i32
      %dma_start3A_183 = tpu.memref_slice %arg9[%dma_start3A_179, %dma_start3A_181, %dma_start3A_182] : memref<4x128x64xf32, #tpu.memory_space<vmem>> -> memref<1x128x64xf32, #tpu.memory_space<vmem>>
      %dma_start3A_184 = tpu.memref_squeeze %dma_start3A_183 : memref<1x128x64xf32, #tpu.memory_space<vmem>> -> memref<128x64xf32, #tpu.memory_space<vmem>>
      %dma_start3A_185 = arith.constant 0 : i32
      %dma_start3A_186 = tpu.memref_slice %arg8[%add3A_164, %dma_start3A_185] : memref<160x128xi32, #tpu.memory_space<vmem>> -> memref<1x128xi32, #tpu.memory_space<vmem>>
      %dma_start3A_187 = tpu.memref_squeeze %dma_start3A_186 : memref<1x128xi32, #tpu.memory_space<vmem>> -> memref<128xi32, #tpu.memory_space<vmem>>
      %dma_start3A_188 = arith.constant 0 : i32
      %dma_start3A_189 = arith.constant 0 : i32
      %dma_start3A_190 = tpu.memref_slice %arg10[%dma_start3A_188, %dma_start3A_189] : memref<10112x64xf32, #tpu.memory_space<vmem_shared>> -> memref<10112x64xf32, #tpu.memory_space<vmem_shared>>
      %dma_start3A_191 = tpu.memref_slice %arg12[%dma_start3A_180] : memref<4x!tpu.dma_semaphore, #tpu.memory_space<semaphore_mem>> -> memref<1x!tpu.dma_semaphore, #tpu.memory_space<semaphore_mem>>
      %dma_start3A_192 = tpu.memref_squeeze %dma_start3A_191 : memref<1x!tpu.dma_semaphore, #tpu.memory_space<semaphore_mem>> -> memref<!tpu.dma_semaphore, #tpu.memory_space<semaphore_mem>>
      tpu.enqueue_indirect_dma source(%dma_start3A_184 : memref<128x64xf32, #tpu.memory_space<vmem>>) target(%dma_start3A_190 : memref<10112x64xf32, #tpu.memory_space<vmem_shared>>) offsets(%dma_start3A_187 : memref<128xi32, #tpu.memory_space<vmem>>) semaphore(%dma_start3A_192 : memref<!tpu.dma_semaphore, #tpu.memory_space<semaphore_mem>>) {add = true}
      %add3A_193 = arith.constant 4 : i32
      %add3A_194 = arith.addi %add3A_164, %add3A_193 : i32
      %lt3A_195 = arith.constant 160 : i32
      %lt3A_196 = arith.cmpi slt, %add3A_194, %lt3A_195 : i32
      %convert_element_type3A_197 = arith.extui %lt3A_196 : i1 to i32
      %cond3A_198 = arith.constant 0 : i32
      %cond3A_199 = arith.cmpi ne, %convert_element_type3A_197, %cond3A_198 : i32
      scf.if %cond3A_199 {
        %dma_wait3A_278 = arith.constant 1 : i32
        %dma_wait3A_279 = arith.constant 1 : i32
        %dma_wait3A_280 = arith.constant 0 : i32
        %dma_wait3A_281 = arith.constant 0 : i32
        %dma_wait3A_282 = tpu.memref_slice %arg9[%dma_wait3A_278, %dma_wait3A_280, %dma_wait3A_281] : memref<4x128x64xf32, #tpu.memory_space<vmem>> -> memref<1x128x64xf32, #tpu.memory_space<vmem>>
        %dma_wait3A_283 = tpu.memref_squeeze %dma_wait3A_282 : memref<1x128x64xf32, #tpu.memory_space<vmem>> -> memref<128x64xf32, #tpu.memory_space<vmem>>
        %dma_wait3A_284 = arith.constant 0 : i32
        %dma_wait3A_285 = tpu.memref_slice %arg8[%add3A_164, %dma_wait3A_284] : memref<160x128xi32, #tpu.memory_space<vmem>> -> memref<1x128xi32, #tpu.memory_space<vmem>>
        %dma_wait3A_286 = tpu.memref_squeeze %dma_wait3A_285 : memref<1x128xi32, #tpu.memory_space<vmem>> -> memref<128xi32, #tpu.memory_space<vmem>>
        %dma_wait3A_287 = arith.constant 0 : i32
        %dma_wait3A_288 = arith.constant 0 : i32
        %dma_wait3A_289 = tpu.memref_slice %arg10[%dma_wait3A_287, %dma_wait3A_288] : memref<10112x64xf32, #tpu.memory_space<vmem_shared>> -> memref<10112x64xf32, #tpu.memory_space<vmem_shared>>
        %dma_wait3A_290 = tpu.memref_slice %arg12[%dma_wait3A_279] : memref<4x!tpu.dma_semaphore, #tpu.memory_space<semaphore_mem>> -> memref<1x!tpu.dma_semaphore, #tpu.memory_space<semaphore_mem>>
        %dma_wait3A_291 = tpu.memref_squeeze %dma_wait3A_290 : memref<1x!tpu.dma_semaphore, #tpu.memory_space<semaphore_mem>> -> memref<!tpu.dma_semaphore, #tpu.memory_space<semaphore_mem>>
        tpu.wait_indirect_dma semaphore(%dma_wait3A_291 : memref<!tpu.dma_semaphore, #tpu.memory_space<semaphore_mem>>) src(%dma_wait3A_283 : memref<128x64xf32, #tpu.memory_space<vmem>>) dst(%dma_wait3A_289 : memref<10112x64xf32, #tpu.memory_space<vmem_shared>>)
        %add3A_292 = arith.constant 4 : i32
        %add3A_293 = arith.addi %add3A_164, %add3A_292 : i32
        %dma_start3A_294 = arith.constant 1 : i32
        %dma_start3A_295 = arith.constant 1 : i32
        %dma_start3A_296 = arith.constant 0 : i32
        %dma_start3A_297 = arith.constant 0 : i32
        %dma_start3A_298 = tpu.memref_slice %arg9[%dma_start3A_294, %dma_start3A_296, %dma_start3A_297] : memref<4x128x64xf32, #tpu.memory_space<vmem>> -> memref<1x128x64xf32, #tpu.memory_space<vmem>>
        %dma_start3A_299 = tpu.memref_squeeze %dma_start3A_298 : memref<1x128x64xf32, #tpu.memory_space<vmem>> -> memref<128x64xf32, #tpu.memory_space<vmem>>
        %dma_start3A_300 = arith.constant 0 : i32
        %dma_start3A_301 = tpu.memref_slice %arg7[%add3A_293, %dma_start3A_300] : memref<160x128xi32, #tpu.memory_space<vmem>> -> memref<1x128xi32, #tpu.memory_space<vmem>>
        %dma_start3A_302 = tpu.memref_squeeze %dma_start3A_301 : memref<1x128xi32, #tpu.memory_space<vmem>> -> memref<128xi32, #tpu.memory_space<vmem>>
        %dma_start3A_303 = arith.constant 0 : i32
        %dma_start3A_304 = arith.constant 0 : i32
        %dma_start3A_305 = tpu.memref_slice %arg4[%dma_start3A_303, %dma_start3A_304] : memref<10112x64xf32, #tpu.memory_space<hbm>> -> memref<10112x64xf32, #tpu.memory_space<hbm>>
        %dma_start3A_306 = tpu.memref_slice %arg11[%dma_start3A_295] : memref<4x!tpu.dma_semaphore, #tpu.memory_space<semaphore_mem>> -> memref<1x!tpu.dma_semaphore, #tpu.memory_space<semaphore_mem>>
        %dma_start3A_307 = tpu.memref_squeeze %dma_start3A_306 : memref<1x!tpu.dma_semaphore, #tpu.memory_space<semaphore_mem>> -> memref<!tpu.dma_semaphore, #tpu.memory_space<semaphore_mem>>
        tpu.enqueue_indirect_dma source(%dma_start3A_305 : memref<10112x64xf32, #tpu.memory_space<hbm>>) target(%dma_start3A_299 : memref<128x64xf32, #tpu.memory_space<vmem>>) offsets(%dma_start3A_302 : memref<128xi32, #tpu.memory_space<vmem>>) semaphore(%dma_start3A_307 : memref<!tpu.dma_semaphore, #tpu.memory_space<semaphore_mem>>)
      } else {
      }
      %mul3A_200 = arith.constant 4 : i32
      %mul3A_201 = arith.muli %scan3A_125, %mul3A_200 : i32
      %add3A_202 = arith.constant 2 : i32
      %add3A_203 = arith.addi %mul3A_201, %add3A_202 : i32
      %dma_wait3A_204 = arith.constant 2 : i32
      %dma_wait3A_205 = arith.constant 2 : i32
      %dma_wait3A_206 = arith.constant 0 : i32
      %dma_wait3A_207 = arith.constant 0 : i32
      %dma_wait3A_208 = tpu.memref_slice %arg9[%dma_wait3A_204, %dma_wait3A_206, %dma_wait3A_207] : memref<4x128x64xf32, #tpu.memory_space<vmem>> -> memref<1x128x64xf32, #tpu.memory_space<vmem>>
      %dma_wait3A_209 = tpu.memref_squeeze %dma_wait3A_208 : memref<1x128x64xf32, #tpu.memory_space<vmem>> -> memref<128x64xf32, #tpu.memory_space<vmem>>
      %dma_wait3A_210 = arith.constant 0 : i32
      %dma_wait3A_211 = tpu.memref_slice %arg7[%add3A_203, %dma_wait3A_210] : memref<160x128xi32, #tpu.memory_space<vmem>> -> memref<1x128xi32, #tpu.memory_space<vmem>>
      %dma_wait3A_212 = tpu.memref_squeeze %dma_wait3A_211 : memref<1x128xi32, #tpu.memory_space<vmem>> -> memref<128xi32, #tpu.memory_space<vmem>>
      %dma_wait3A_213 = arith.constant 0 : i32
      %dma_wait3A_214 = arith.constant 0 : i32
      %dma_wait3A_215 = tpu.memref_slice %arg4[%dma_wait3A_213, %dma_wait3A_214] : memref<10112x64xf32, #tpu.memory_space<hbm>> -> memref<10112x64xf32, #tpu.memory_space<hbm>>
      %dma_wait3A_216 = tpu.memref_slice %arg11[%dma_wait3A_205] : memref<4x!tpu.dma_semaphore, #tpu.memory_space<semaphore_mem>> -> memref<1x!tpu.dma_semaphore, #tpu.memory_space<semaphore_mem>>
      %dma_wait3A_217 = tpu.memref_squeeze %dma_wait3A_216 : memref<1x!tpu.dma_semaphore, #tpu.memory_space<semaphore_mem>> -> memref<!tpu.dma_semaphore, #tpu.memory_space<semaphore_mem>>
      tpu.wait_indirect_dma semaphore(%dma_wait3A_217 : memref<!tpu.dma_semaphore, #tpu.memory_space<semaphore_mem>>) src(%dma_wait3A_215 : memref<10112x64xf32, #tpu.memory_space<hbm>>) dst(%dma_wait3A_209 : memref<128x64xf32, #tpu.memory_space<vmem>>)
      %dma_start3A_218 = arith.constant 2 : i32
      %dma_start3A_219 = arith.constant 2 : i32
      %dma_start3A_220 = arith.constant 0 : i32
      %dma_start3A_221 = arith.constant 0 : i32
      %dma_start3A_222 = tpu.memref_slice %arg9[%dma_start3A_218, %dma_start3A_220, %dma_start3A_221] : memref<4x128x64xf32, #tpu.memory_space<vmem>> -> memref<1x128x64xf32, #tpu.memory_space<vmem>>
      %dma_start3A_223 = tpu.memref_squeeze %dma_start3A_222 : memref<1x128x64xf32, #tpu.memory_space<vmem>> -> memref<128x64xf32, #tpu.memory_space<vmem>>
      %dma_start3A_224 = arith.constant 0 : i32
      %dma_start3A_225 = tpu.memref_slice %arg8[%add3A_203, %dma_start3A_224] : memref<160x128xi32, #tpu.memory_space<vmem>> -> memref<1x128xi32, #tpu.memory_space<vmem>>
      %dma_start3A_226 = tpu.memref_squeeze %dma_start3A_225 : memref<1x128xi32, #tpu.memory_space<vmem>> -> memref<128xi32, #tpu.memory_space<vmem>>
      %dma_start3A_227 = arith.constant 0 : i32
      %dma_start3A_228 = arith.constant 0 : i32
      %dma_start3A_229 = tpu.memref_slice %arg10[%dma_start3A_227, %dma_start3A_228] : memref<10112x64xf32, #tpu.memory_space<vmem_shared>> -> memref<10112x64xf32, #tpu.memory_space<vmem_shared>>
      %dma_start3A_230 = tpu.memref_slice %arg12[%dma_start3A_219] : memref<4x!tpu.dma_semaphore, #tpu.memory_space<semaphore_mem>> -> memref<1x!tpu.dma_semaphore, #tpu.memory_space<semaphore_mem>>
      %dma_start3A_231 = tpu.memref_squeeze %dma_start3A_230 : memref<1x!tpu.dma_semaphore, #tpu.memory_space<semaphore_mem>> -> memref<!tpu.dma_semaphore, #tpu.memory_space<semaphore_mem>>
      tpu.enqueue_indirect_dma source(%dma_start3A_223 : memref<128x64xf32, #tpu.memory_space<vmem>>) target(%dma_start3A_229 : memref<10112x64xf32, #tpu.memory_space<vmem_shared>>) offsets(%dma_start3A_226 : memref<128xi32, #tpu.memory_space<vmem>>) semaphore(%dma_start3A_231 : memref<!tpu.dma_semaphore, #tpu.memory_space<semaphore_mem>>) {add = true}
      %add3A_232 = arith.constant 4 : i32
      %add3A_233 = arith.addi %add3A_203, %add3A_232 : i32
      %lt3A_234 = arith.constant 160 : i32
      %lt3A_235 = arith.cmpi slt, %add3A_233, %lt3A_234 : i32
      %convert_element_type3A_236 = arith.extui %lt3A_235 : i1 to i32
      %cond3A_237 = arith.constant 0 : i32
      %cond3A_238 = arith.cmpi ne, %convert_element_type3A_236, %cond3A_237 : i32
      scf.if %cond3A_238 {
        %dma_wait3A_278 = arith.constant 2 : i32
        %dma_wait3A_279 = arith.constant 2 : i32
        %dma_wait3A_280 = arith.constant 0 : i32
        %dma_wait3A_281 = arith.constant 0 : i32
        %dma_wait3A_282 = tpu.memref_slice %arg9[%dma_wait3A_278, %dma_wait3A_280, %dma_wait3A_281] : memref<4x128x64xf32, #tpu.memory_space<vmem>> -> memref<1x128x64xf32, #tpu.memory_space<vmem>>
        %dma_wait3A_283 = tpu.memref_squeeze %dma_wait3A_282 : memref<1x128x64xf32, #tpu.memory_space<vmem>> -> memref<128x64xf32, #tpu.memory_space<vmem>>
        %dma_wait3A_284 = arith.constant 0 : i32
        %dma_wait3A_285 = tpu.memref_slice %arg8[%add3A_203, %dma_wait3A_284] : memref<160x128xi32, #tpu.memory_space<vmem>> -> memref<1x128xi32, #tpu.memory_space<vmem>>
        %dma_wait3A_286 = tpu.memref_squeeze %dma_wait3A_285 : memref<1x128xi32, #tpu.memory_space<vmem>> -> memref<128xi32, #tpu.memory_space<vmem>>
        %dma_wait3A_287 = arith.constant 0 : i32
        %dma_wait3A_288 = arith.constant 0 : i32
        %dma_wait3A_289 = tpu.memref_slice %arg10[%dma_wait3A_287, %dma_wait3A_288] : memref<10112x64xf32, #tpu.memory_space<vmem_shared>> -> memref<10112x64xf32, #tpu.memory_space<vmem_shared>>
        %dma_wait3A_290 = tpu.memref_slice %arg12[%dma_wait3A_279] : memref<4x!tpu.dma_semaphore, #tpu.memory_space<semaphore_mem>> -> memref<1x!tpu.dma_semaphore, #tpu.memory_space<semaphore_mem>>
        %dma_wait3A_291 = tpu.memref_squeeze %dma_wait3A_290 : memref<1x!tpu.dma_semaphore, #tpu.memory_space<semaphore_mem>> -> memref<!tpu.dma_semaphore, #tpu.memory_space<semaphore_mem>>
        tpu.wait_indirect_dma semaphore(%dma_wait3A_291 : memref<!tpu.dma_semaphore, #tpu.memory_space<semaphore_mem>>) src(%dma_wait3A_283 : memref<128x64xf32, #tpu.memory_space<vmem>>) dst(%dma_wait3A_289 : memref<10112x64xf32, #tpu.memory_space<vmem_shared>>)
        %add3A_292 = arith.constant 4 : i32
        %add3A_293 = arith.addi %add3A_203, %add3A_292 : i32
        %dma_start3A_294 = arith.constant 2 : i32
        %dma_start3A_295 = arith.constant 2 : i32
        %dma_start3A_296 = arith.constant 0 : i32
        %dma_start3A_297 = arith.constant 0 : i32
        %dma_start3A_298 = tpu.memref_slice %arg9[%dma_start3A_294, %dma_start3A_296, %dma_start3A_297] : memref<4x128x64xf32, #tpu.memory_space<vmem>> -> memref<1x128x64xf32, #tpu.memory_space<vmem>>
        %dma_start3A_299 = tpu.memref_squeeze %dma_start3A_298 : memref<1x128x64xf32, #tpu.memory_space<vmem>> -> memref<128x64xf32, #tpu.memory_space<vmem>>
        %dma_start3A_300 = arith.constant 0 : i32
        %dma_start3A_301 = tpu.memref_slice %arg7[%add3A_293, %dma_start3A_300] : memref<160x128xi32, #tpu.memory_space<vmem>> -> memref<1x128xi32, #tpu.memory_space<vmem>>
        %dma_start3A_302 = tpu.memref_squeeze %dma_start3A_301 : memref<1x128xi32, #tpu.memory_space<vmem>> -> memref<128xi32, #tpu.memory_space<vmem>>
        %dma_start3A_303 = arith.constant 0 : i32
        %dma_start3A_304 = arith.constant 0 : i32
        %dma_start3A_305 = tpu.memref_slice %arg4[%dma_start3A_303, %dma_start3A_304] : memref<10112x64xf32, #tpu.memory_space<hbm>> -> memref<10112x64xf32, #tpu.memory_space<hbm>>
        %dma_start3A_306 = tpu.memref_slice %arg11[%dma_start3A_295] : memref<4x!tpu.dma_semaphore, #tpu.memory_space<semaphore_mem>> -> memref<1x!tpu.dma_semaphore, #tpu.memory_space<semaphore_mem>>
        %dma_start3A_307 = tpu.memref_squeeze %dma_start3A_306 : memref<1x!tpu.dma_semaphore, #tpu.memory_space<semaphore_mem>> -> memref<!tpu.dma_semaphore, #tpu.memory_space<semaphore_mem>>
        tpu.enqueue_indirect_dma source(%dma_start3A_305 : memref<10112x64xf32, #tpu.memory_space<hbm>>) target(%dma_start3A_299 : memref<128x64xf32, #tpu.memory_space<vmem>>) offsets(%dma_start3A_302 : memref<128xi32, #tpu.memory_space<vmem>>) semaphore(%dma_start3A_307 : memref<!tpu.dma_semaphore, #tpu.memory_space<semaphore_mem>>)
      } else {
      }
      %mul3A_239 = arith.constant 4 : i32
      %mul3A_240 = arith.muli %scan3A_125, %mul3A_239 : i32
      %add3A_241 = arith.constant 3 : i32
      %add3A_242 = arith.addi %mul3A_240, %add3A_241 : i32
      %dma_wait3A_243 = arith.constant 3 : i32
      %dma_wait3A_244 = arith.constant 3 : i32
      %dma_wait3A_245 = arith.constant 0 : i32
      %dma_wait3A_246 = arith.constant 0 : i32
      %dma_wait3A_247 = tpu.memref_slice %arg9[%dma_wait3A_243, %dma_wait3A_245, %dma_wait3A_246] : memref<4x128x64xf32, #tpu.memory_space<vmem>> -> memref<1x128x64xf32, #tpu.memory_space<vmem>>
      %dma_wait3A_248 = tpu.memref_squeeze %dma_wait3A_247 : memref<1x128x64xf32, #tpu.memory_space<vmem>> -> memref<128x64xf32, #tpu.memory_space<vmem>>
      %dma_wait3A_249 = arith.constant 0 : i32
      %dma_wait3A_250 = tpu.memref_slice %arg7[%add3A_242, %dma_wait3A_249] : memref<160x128xi32, #tpu.memory_space<vmem>> -> memref<1x128xi32, #tpu.memory_space<vmem>>
      %dma_wait3A_251 = tpu.memref_squeeze %dma_wait3A_250 : memref<1x128xi32, #tpu.memory_space<vmem>> -> memref<128xi32, #tpu.memory_space<vmem>>
      %dma_wait3A_252 = arith.constant 0 : i32
      %dma_wait3A_253 = arith.constant 0 : i32
      %dma_wait3A_254 = tpu.memref_slice %arg4[%dma_wait3A_252, %dma_wait3A_253] : memref<10112x64xf32, #tpu.memory_space<hbm>> -> memref<10112x64xf32, #tpu.memory_space<hbm>>
      %dma_wait3A_255 = tpu.memref_slice %arg11[%dma_wait3A_244] : memref<4x!tpu.dma_semaphore, #tpu.memory_space<semaphore_mem>> -> memref<1x!tpu.dma_semaphore, #tpu.memory_space<semaphore_mem>>
      %dma_wait3A_256 = tpu.memref_squeeze %dma_wait3A_255 : memref<1x!tpu.dma_semaphore, #tpu.memory_space<semaphore_mem>> -> memref<!tpu.dma_semaphore, #tpu.memory_space<semaphore_mem>>
      tpu.wait_indirect_dma semaphore(%dma_wait3A_256 : memref<!tpu.dma_semaphore, #tpu.memory_space<semaphore_mem>>) src(%dma_wait3A_254 : memref<10112x64xf32, #tpu.memory_space<hbm>>) dst(%dma_wait3A_248 : memref<128x64xf32, #tpu.memory_space<vmem>>)
      %dma_start3A_257 = arith.constant 3 : i32
      %dma_start3A_258 = arith.constant 3 : i32
      %dma_start3A_259 = arith.constant 0 : i32
      %dma_start3A_260 = arith.constant 0 : i32
      %dma_start3A_261 = tpu.memref_slice %arg9[%dma_start3A_257, %dma_start3A_259, %dma_start3A_260] : memref<4x128x64xf32, #tpu.memory_space<vmem>> -> memref<1x128x64xf32, #tpu.memory_space<vmem>>
      %dma_start3A_262 = tpu.memref_squeeze %dma_start3A_261 : memref<1x128x64xf32, #tpu.memory_space<vmem>> -> memref<128x64xf32, #tpu.memory_space<vmem>>
      %dma_start3A_263 = arith.constant 0 : i32
      %dma_start3A_264 = tpu.memref_slice %arg8[%add3A_242, %dma_start3A_263] : memref<160x128xi32, #tpu.memory_space<vmem>> -> memref<1x128xi32, #tpu.memory_space<vmem>>
      %dma_start3A_265 = tpu.memref_squeeze %dma_start3A_264 : memref<1x128xi32, #tpu.memory_space<vmem>> -> memref<128xi32, #tpu.memory_space<vmem>>
      %dma_start3A_266 = arith.constant 0 : i32
      %dma_start3A_267 = arith.constant 0 : i32
      %dma_start3A_268 = tpu.memref_slice %arg10[%dma_start3A_266, %dma_start3A_267] : memref<10112x64xf32, #tpu.memory_space<vmem_shared>> -> memref<10112x64xf32, #tpu.memory_space<vmem_shared>>
      %dma_start3A_269 = tpu.memref_slice %arg12[%dma_start3A_258] : memref<4x!tpu.dma_semaphore, #tpu.memory_space<semaphore_mem>> -> memref<1x!tpu.dma_semaphore, #tpu.memory_space<semaphore_mem>>
      %dma_start3A_270 = tpu.memref_squeeze %dma_start3A_269 : memref<1x!tpu.dma_semaphore, #tpu.memory_space<semaphore_mem>> -> memref<!tpu.dma_semaphore, #tpu.memory_space<semaphore_mem>>
      tpu.enqueue_indirect_dma source(%dma_start3A_262 : memref<128x64xf32, #tpu.memory_space<vmem>>) target(%dma_start3A_268 : memref<10112x64xf32, #tpu.memory_space<vmem_shared>>) offsets(%dma_start3A_265 : memref<128xi32, #tpu.memory_space<vmem>>) semaphore(%dma_start3A_270 : memref<!tpu.dma_semaphore, #tpu.memory_space<semaphore_mem>>) {add = true}
      %add3A_271 = arith.constant 4 : i32
      %add3A_272 = arith.addi %add3A_242, %add3A_271 : i32
      %lt3A_273 = arith.constant 160 : i32
      %lt3A_274 = arith.cmpi slt, %add3A_272, %lt3A_273 : i32
      %convert_element_type3A_275 = arith.extui %lt3A_274 : i1 to i32
      %cond3A_276 = arith.constant 0 : i32
      %cond3A_277 = arith.cmpi ne, %convert_element_type3A_275, %cond3A_276 : i32
      scf.if %cond3A_277 {
        %dma_wait3A_278 = arith.constant 3 : i32
        %dma_wait3A_279 = arith.constant 3 : i32
        %dma_wait3A_280 = arith.constant 0 : i32
        %dma_wait3A_281 = arith.constant 0 : i32
        %dma_wait3A_282 = tpu.memref_slice %arg9[%dma_wait3A_278, %dma_wait3A_280, %dma_wait3A_281] : memref<4x128x64xf32, #tpu.memory_space<vmem>> -> memref<1x128x64xf32, #tpu.memory_space<vmem>>
        %dma_wait3A_283 = tpu.memref_squeeze %dma_wait3A_282 : memref<1x128x64xf32, #tpu.memory_space<vmem>> -> memref<128x64xf32, #tpu.memory_space<vmem>>
        %dma_wait3A_284 = arith.constant 0 : i32
        %dma_wait3A_285 = tpu.memref_slice %arg8[%add3A_242, %dma_wait3A_284] : memref<160x128xi32, #tpu.memory_space<vmem>> -> memref<1x128xi32, #tpu.memory_space<vmem>>
        %dma_wait3A_286 = tpu.memref_squeeze %dma_wait3A_285 : memref<1x128xi32, #tpu.memory_space<vmem>> -> memref<128xi32, #tpu.memory_space<vmem>>
        %dma_wait3A_287 = arith.constant 0 : i32
        %dma_wait3A_288 = arith.constant 0 : i32
        %dma_wait3A_289 = tpu.memref_slice %arg10[%dma_wait3A_287, %dma_wait3A_288] : memref<10112x64xf32, #tpu.memory_space<vmem_shared>> -> memref<10112x64xf32, #tpu.memory_space<vmem_shared>>
        %dma_wait3A_290 = tpu.memref_slice %arg12[%dma_wait3A_279] : memref<4x!tpu.dma_semaphore, #tpu.memory_space<semaphore_mem>> -> memref<1x!tpu.dma_semaphore, #tpu.memory_space<semaphore_mem>>
        %dma_wait3A_291 = tpu.memref_squeeze %dma_wait3A_290 : memref<1x!tpu.dma_semaphore, #tpu.memory_space<semaphore_mem>> -> memref<!tpu.dma_semaphore, #tpu.memory_space<semaphore_mem>>
        tpu.wait_indirect_dma semaphore(%dma_wait3A_291 : memref<!tpu.dma_semaphore, #tpu.memory_space<semaphore_mem>>) src(%dma_wait3A_283 : memref<128x64xf32, #tpu.memory_space<vmem>>) dst(%dma_wait3A_289 : memref<10112x64xf32, #tpu.memory_space<vmem_shared>>)
        %add3A_292 = arith.constant 4 : i32
        %add3A_293 = arith.addi %add3A_242, %add3A_292 : i32
        %dma_start3A_294 = arith.constant 3 : i32
        %dma_start3A_295 = arith.constant 3 : i32
        %dma_start3A_296 = arith.constant 0 : i32
        %dma_start3A_297 = arith.constant 0 : i32
        %dma_start3A_298 = tpu.memref_slice %arg9[%dma_start3A_294, %dma_start3A_296, %dma_start3A_297] : memref<4x128x64xf32, #tpu.memory_space<vmem>> -> memref<1x128x64xf32, #tpu.memory_space<vmem>>
        %dma_start3A_299 = tpu.memref_squeeze %dma_start3A_298 : memref<1x128x64xf32, #tpu.memory_space<vmem>> -> memref<128x64xf32, #tpu.memory_space<vmem>>
        %dma_start3A_300 = arith.constant 0 : i32
        %dma_start3A_301 = tpu.memref_slice %arg7[%add3A_293, %dma_start3A_300] : memref<160x128xi32, #tpu.memory_space<vmem>> -> memref<1x128xi32, #tpu.memory_space<vmem>>
        %dma_start3A_302 = tpu.memref_squeeze %dma_start3A_301 : memref<1x128xi32, #tpu.memory_space<vmem>> -> memref<128xi32, #tpu.memory_space<vmem>>
        %dma_start3A_303 = arith.constant 0 : i32
        %dma_start3A_304 = arith.constant 0 : i32
        %dma_start3A_305 = tpu.memref_slice %arg4[%dma_start3A_303, %dma_start3A_304] : memref<10112x64xf32, #tpu.memory_space<hbm>> -> memref<10112x64xf32, #tpu.memory_space<hbm>>
        %dma_start3A_306 = tpu.memref_slice %arg11[%dma_start3A_295] : memref<4x!tpu.dma_semaphore, #tpu.memory_space<semaphore_mem>> -> memref<1x!tpu.dma_semaphore, #tpu.memory_space<semaphore_mem>>
        %dma_start3A_307 = tpu.memref_squeeze %dma_start3A_306 : memref<1x!tpu.dma_semaphore, #tpu.memory_space<semaphore_mem>> -> memref<!tpu.dma_semaphore, #tpu.memory_space<semaphore_mem>>
        tpu.enqueue_indirect_dma source(%dma_start3A_305 : memref<10112x64xf32, #tpu.memory_space<hbm>>) target(%dma_start3A_299 : memref<128x64xf32, #tpu.memory_space<vmem>>) offsets(%dma_start3A_302 : memref<128xi32, #tpu.memory_space<vmem>>) semaphore(%dma_start3A_307 : memref<!tpu.dma_semaphore, #tpu.memory_space<semaphore_mem>>)
      } else {
      }
    }
    %scan3A_64 = arith.constant 40 : i32
    %dma_wait3A = arith.constant 0 : i32
    %dma_wait3A_65 = arith.constant 156 : i32
    %dma_wait3A_66 = arith.constant 0 : i32
    %dma_wait3A_67 = arith.constant 0 : i32
    %dma_wait3A_68 = arith.constant 0 : i32
    %dma_wait3A_69 = tpu.memref_slice %arg9[%dma_wait3A, %dma_wait3A_67, %dma_wait3A_68] : memref<4x128x64xf32, #tpu.memory_space<vmem>> -> memref<1x128x64xf32, #tpu.memory_space<vmem>>
    %dma_wait3A_70 = tpu.memref_squeeze %dma_wait3A_69 : memref<1x128x64xf32, #tpu.memory_space<vmem>> -> memref<128x64xf32, #tpu.memory_space<vmem>>
    %dma_wait3A_71 = arith.constant 0 : i32
    %dma_wait3A_72 = tpu.memref_slice %arg8[%dma_wait3A_65, %dma_wait3A_71] : memref<160x128xi32, #tpu.memory_space<vmem>> -> memref<1x128xi32, #tpu.memory_space<vmem>>
    %dma_wait3A_73 = tpu.memref_squeeze %dma_wait3A_72 : memref<1x128xi32, #tpu.memory_space<vmem>> -> memref<128xi32, #tpu.memory_space<vmem>>
    %dma_wait3A_74 = arith.constant 0 : i32
    %dma_wait3A_75 = arith.constant 0 : i32
    %dma_wait3A_76 = tpu.memref_slice %arg10[%dma_wait3A_74, %dma_wait3A_75] : memref<10112x64xf32, #tpu.memory_space<vmem_shared>> -> memref<10112x64xf32, #tpu.memory_space<vmem_shared>>
    %dma_wait3A_77 = tpu.memref_slice %arg12[%dma_wait3A_66] : memref<4x!tpu.dma_semaphore, #tpu.memory_space<semaphore_mem>> -> memref<1x!tpu.dma_semaphore, #tpu.memory_space<semaphore_mem>>
    %dma_wait3A_78 = tpu.memref_squeeze %dma_wait3A_77 : memref<1x!tpu.dma_semaphore, #tpu.memory_space<semaphore_mem>> -> memref<!tpu.dma_semaphore, #tpu.memory_space<semaphore_mem>>
    tpu.wait_indirect_dma semaphore(%dma_wait3A_78 : memref<!tpu.dma_semaphore, #tpu.memory_space<semaphore_mem>>) src(%dma_wait3A_70 : memref<128x64xf32, #tpu.memory_space<vmem>>) dst(%dma_wait3A_76 : memref<10112x64xf32, #tpu.memory_space<vmem_shared>>)
    %dma_wait3A_79 = arith.constant 1 : i32
    %dma_wait3A_80 = arith.constant 157 : i32
    %dma_wait3A_81 = arith.constant 1 : i32
    %dma_wait3A_82 = arith.constant 0 : i32
    %dma_wait3A_83 = arith.constant 0 : i32
    %dma_wait3A_84 = tpu.memref_slice %arg9[%dma_wait3A_79, %dma_wait3A_82, %dma_wait3A_83] : memref<4x128x64xf32, #tpu.memory_space<vmem>> -> memref<1x128x64xf32, #tpu.memory_space<vmem>>
    %dma_wait3A_85 = tpu.memref_squeeze %dma_wait3A_84 : memref<1x128x64xf32, #tpu.memory_space<vmem>> -> memref<128x64xf32, #tpu.memory_space<vmem>>
    %dma_wait3A_86 = arith.constant 0 : i32
    %dma_wait3A_87 = tpu.memref_slice %arg8[%dma_wait3A_80, %dma_wait3A_86] : memref<160x128xi32, #tpu.memory_space<vmem>> -> memref<1x128xi32, #tpu.memory_space<vmem>>
    %dma_wait3A_88 = tpu.memref_squeeze %dma_wait3A_87 : memref<1x128xi32, #tpu.memory_space<vmem>> -> memref<128xi32, #tpu.memory_space<vmem>>
    %dma_wait3A_89 = arith.constant 0 : i32
    %dma_wait3A_90 = arith.constant 0 : i32
    %dma_wait3A_91 = tpu.memref_slice %arg10[%dma_wait3A_89, %dma_wait3A_90] : memref<10112x64xf32, #tpu.memory_space<vmem_shared>> -> memref<10112x64xf32, #tpu.memory_space<vmem_shared>>
    %dma_wait3A_92 = tpu.memref_slice %arg12[%dma_wait3A_81] : memref<4x!tpu.dma_semaphore, #tpu.memory_space<semaphore_mem>> -> memref<1x!tpu.dma_semaphore, #tpu.memory_space<semaphore_mem>>
    %dma_wait3A_93 = tpu.memref_squeeze %dma_wait3A_92 : memref<1x!tpu.dma_semaphore, #tpu.memory_space<semaphore_mem>> -> memref<!tpu.dma_semaphore, #tpu.memory_space<semaphore_mem>>
    tpu.wait_indirect_dma semaphore(%dma_wait3A_93 : memref<!tpu.dma_semaphore, #tpu.memory_space<semaphore_mem>>) src(%dma_wait3A_85 : memref<128x64xf32, #tpu.memory_space<vmem>>) dst(%dma_wait3A_91 : memref<10112x64xf32, #tpu.memory_space<vmem_shared>>)
    %dma_wait3A_94 = arith.constant 2 : i32
    %dma_wait3A_95 = arith.constant 158 : i32
    %dma_wait3A_96 = arith.constant 2 : i32
    %dma_wait3A_97 = arith.constant 0 : i32
    %dma_wait3A_98 = arith.constant 0 : i32
    %dma_wait3A_99 = tpu.memref_slice %arg9[%dma_wait3A_94, %dma_wait3A_97, %dma_wait3A_98] : memref<4x128x64xf32, #tpu.memory_space<vmem>> -> memref<1x128x64xf32, #tpu.memory_space<vmem>>
    %dma_wait3A_100 = tpu.memref_squeeze %dma_wait3A_99 : memref<1x128x64xf32, #tpu.memory_space<vmem>> -> memref<128x64xf32, #tpu.memory_space<vmem>>
    %dma_wait3A_101 = arith.constant 0 : i32
    %dma_wait3A_102 = tpu.memref_slice %arg8[%dma_wait3A_95, %dma_wait3A_101] : memref<160x128xi32, #tpu.memory_space<vmem>> -> memref<1x128xi32, #tpu.memory_space<vmem>>
    %dma_wait3A_103 = tpu.memref_squeeze %dma_wait3A_102 : memref<1x128xi32, #tpu.memory_space<vmem>> -> memref<128xi32, #tpu.memory_space<vmem>>
    %dma_wait3A_104 = arith.constant 0 : i32
    %dma_wait3A_105 = arith.constant 0 : i32
    %dma_wait3A_106 = tpu.memref_slice %arg10[%dma_wait3A_104, %dma_wait3A_105] : memref<10112x64xf32, #tpu.memory_space<vmem_shared>> -> memref<10112x64xf32, #tpu.memory_space<vmem_shared>>
    %dma_wait3A_107 = tpu.memref_slice %arg12[%dma_wait3A_96] : memref<4x!tpu.dma_semaphore, #tpu.memory_space<semaphore_mem>> -> memref<1x!tpu.dma_semaphore, #tpu.memory_space<semaphore_mem>>
    %dma_wait3A_108 = tpu.memref_squeeze %dma_wait3A_107 : memref<1x!tpu.dma_semaphore, #tpu.memory_space<semaphore_mem>> -> memref<!tpu.dma_semaphore, #tpu.memory_space<semaphore_mem>>
    tpu.wait_indirect_dma semaphore(%dma_wait3A_108 : memref<!tpu.dma_semaphore, #tpu.memory_space<semaphore_mem>>) src(%dma_wait3A_100 : memref<128x64xf32, #tpu.memory_space<vmem>>) dst(%dma_wait3A_106 : memref<10112x64xf32, #tpu.memory_space<vmem_shared>>)
    %dma_wait3A_109 = arith.constant 3 : i32
    %dma_wait3A_110 = arith.constant 159 : i32
    %dma_wait3A_111 = arith.constant 3 : i32
    %dma_wait3A_112 = arith.constant 0 : i32
    %dma_wait3A_113 = arith.constant 0 : i32
    %dma_wait3A_114 = tpu.memref_slice %arg9[%dma_wait3A_109, %dma_wait3A_112, %dma_wait3A_113] : memref<4x128x64xf32, #tpu.memory_space<vmem>> -> memref<1x128x64xf32, #tpu.memory_space<vmem>>
    %dma_wait3A_115 = tpu.memref_squeeze %dma_wait3A_114 : memref<1x128x64xf32, #tpu.memory_space<vmem>> -> memref<128x64xf32, #tpu.memory_space<vmem>>
    %dma_wait3A_116 = arith.constant 0 : i32
    %dma_wait3A_117 = tpu.memref_slice %arg8[%dma_wait3A_110, %dma_wait3A_116] : memref<160x128xi32, #tpu.memory_space<vmem>> -> memref<1x128xi32, #tpu.memory_space<vmem>>
    %dma_wait3A_118 = tpu.memref_squeeze %dma_wait3A_117 : memref<1x128xi32, #tpu.memory_space<vmem>> -> memref<128xi32, #tpu.memory_space<vmem>>
    %dma_wait3A_119 = arith.constant 0 : i32
    %dma_wait3A_120 = arith.constant 0 : i32
    %dma_wait3A_121 = tpu.memref_slice %arg10[%dma_wait3A_119, %dma_wait3A_120] : memref<10112x64xf32, #tpu.memory_space<vmem_shared>> -> memref<10112x64xf32, #tpu.memory_space<vmem_shared>>
    %dma_wait3A_122 = tpu.memref_slice %arg12[%dma_wait3A_111] : memref<4x!tpu.dma_semaphore, #tpu.memory_space<semaphore_mem>> -> memref<1x!tpu.dma_semaphore, #tpu.memory_space<semaphore_mem>>
    %dma_wait3A_123 = tpu.memref_squeeze %dma_wait3A_122 : memref<1x!tpu.dma_semaphore, #tpu.memory_space<semaphore_mem>> -> memref<!tpu.dma_semaphore, #tpu.memory_space<semaphore_mem>>
    tpu.wait_indirect_dma semaphore(%dma_wait3A_123 : memref<!tpu.dma_semaphore, #tpu.memory_space<semaphore_mem>>) src(%dma_wait3A_115 : memref<128x64xf32, #tpu.memory_space<vmem>>) dst(%dma_wait3A_121 : memref<10112x64xf32, #tpu.memory_space<vmem_shared>>)
    %barrier3A_124 = arith.constant 0 : index
    tpu.barrier barrier_id(%barrier3A_124)
    "tpu.region"() ({
      %run_scoped3A = tpu.sem_alloc : memref<!tpu.dma_semaphore, #tpu.memory_space<semaphore_mem>>
      %dma_start3A_125 = arith.constant 0 : i32
      %dma_start3A_126 = tpu.memref_slice %arg6[%arg0, %mul3A_0, %dma_start3A_125] : memref<2x10112x64xf32, #tpu.memory_space<hbm>> -> memref<1x632x64xf32, #tpu.memory_space<hbm>>
      %dma_start3A_127 = tpu.memref_squeeze %dma_start3A_126 : memref<1x632x64xf32, #tpu.memory_space<hbm>> -> memref<632x64xf32, #tpu.memory_space<hbm>>
      %dma_start3A_128 = arith.constant 0 : i32
      %dma_start3A_129 = tpu.memref_slice %arg10[%mul3A_0, %dma_start3A_128] : memref<10112x64xf32, #tpu.memory_space<vmem_shared>> -> memref<632x64xf32, #tpu.memory_space<vmem_shared>>
      tpu.enqueue_dma source(%dma_start3A_129 : memref<632x64xf32, #tpu.memory_space<vmem_shared>>) target(%dma_start3A_127 : memref<632x64xf32, #tpu.memory_space<hbm>>) target_semaphore(%run_scoped3A : memref<!tpu.dma_semaphore, #tpu.memory_space<semaphore_mem>>)
      %dma_wait3A_130 = arith.constant 0 : i32
      %dma_wait3A_131 = tpu.memref_slice %arg6[%arg0, %mul3A_0, %dma_wait3A_130] : memref<2x10112x64xf32, #tpu.memory_space<hbm>> -> memref<1x632x64xf32, #tpu.memory_space<hbm>>
      %dma_wait3A_132 = tpu.memref_squeeze %dma_wait3A_131 : memref<1x632x64xf32, #tpu.memory_space<hbm>> -> memref<632x64xf32, #tpu.memory_space<hbm>>
      %dma_wait3A_133 = arith.constant 0 : i32
      %dma_wait3A_134 = tpu.memref_slice %arg10[%mul3A_0, %dma_wait3A_133] : memref<10112x64xf32, #tpu.memory_space<vmem_shared>> -> memref<632x64xf32, #tpu.memory_space<vmem_shared>>
      tpu.wait_dma2 semaphore(%run_scoped3A : memref<!tpu.dma_semaphore, #tpu.memory_space<semaphore_mem>>) src(%dma_wait3A_134 : memref<632x64xf32, #tpu.memory_space<vmem_shared>>) dst(%dma_wait3A_132 : memref<632x64xf32, #tpu.memory_space<hbm>>)
      tpu.yield
    }) : () -> ()
    return
  }
}

module attributes {stable_mosaic.version = 14 : i64} {
  func.func @_matmul_body(%arg0: i32, %arg1: memref<10000x128xf32, #tpu.memory_space<vmem>>, %arg2: memref<128x64xf32, #tpu.memory_space<vmem>>, %arg3: memref<10000x64xf32, #tpu.memory_space<vmem>>) attributes {dimension_semantics = [#tpu.dimension_semantics<arbitrary>], iteration_bounds = array<i64: 1>, scalar_prefetch = 0 : i64, scratch_operands = 0 : i64, tpu.core_type = #tpu.core_type<tc>, window_params = [{pipeline_mode = #tpu.pipeline_mode<synchronous>, transform_indices = @transform_0, window_bounds = array<i64: 10000, 128>}, {pipeline_mode = #tpu.pipeline_mode<synchronous>, transform_indices = @transform_1, window_bounds = array<i64: 128, 64>}, {pipeline_mode = #tpu.pipeline_mode<synchronous>, transform_indices = @transform_2, window_bounds = array<i64: 10000, 64>}]} {
    %get3A = arith.constant 0 : index
    %get3A_0 = arith.constant 0 : index
    %get3A_1 = vector.load %arg1[%get3A, %get3A_0] : memref<10000x128xf32, #tpu.memory_space<vmem>>, vector<10000x128xf32>
    %get3A_2 = arith.constant 0 : index
    %get3A_3 = arith.constant 0 : index
    %get3A_4 = vector.load %arg2[%get3A_2, %get3A_3] : memref<128x64xf32, #tpu.memory_space<vmem>>, vector<128x64xf32>
    %dot_general3A = arith.constant dense<0.000000e+00> : vector<10000x64xf32>
    %dot_general3A_5 = tpu.matmul %get3A_1, %get3A_4, %dot_general3A {dimension_numbers = #tpu.dot_dimension_numbers<[1], [0], [0], [1], [0, 0, 1, 1], [], []>, transpose_lhs_hint = false} : vector<10000x128xf32>, vector<128x64xf32>, vector<10000x64xf32> -> vector<10000x64xf32>
    %swap3A = arith.constant 0 : index
    %swap3A_6 = arith.constant 0 : index
    %swap3A_7 = vector.load %arg3[%swap3A, %swap3A_6] : memref<10000x64xf32, #tpu.memory_space<vmem>>, vector<10000x64xf32>
    tpu.vector_store %arg3[%swap3A, %swap3A_6], %dot_general3A_5 {strides = array<i32>} : memref<10000x64xf32, #tpu.memory_space<vmem>>, vector<10000x64xf32>,
    return
  }
  func.func @transform_0(%arg0: i32) -> (i32, i32) {
    %c0_i32 = arith.constant 0 : i32
    %c0_i32_0 = arith.constant 0 : i32
    %c0_i32_1 = arith.constant 0 : i32
    return %c0_i32, %c0_i32_0 : i32, i32
  }
  func.func @transform_1(%arg0: i32) -> (i32, i32) {
    %c0_i32 = arith.constant 0 : i32
    %c0_i32_0 = arith.constant 0 : i32
    %c0_i32_1 = arith.constant 0 : i32
    return %c0_i32, %c0_i32_0 : i32, i32
  }
  func.func @transform_2(%arg0: i32) -> (i32, i32) {
    %c0_i32 = arith.constant 0 : i32
    %c0_i32_0 = arith.constant 0 : i32
    %c0_i32_1 = arith.constant 0 : i32
    return %c0_i32, %c0_i32_0 : i32, i32
  }
}

module attributes {stable_mosaic.version = 14 : i64} {
  func.func @_scale_body(%arg0: i32, %arg1: memref<10000x64xf32, #tpu.memory_space<vmem>>, %arg2: memref<2x10000x16xf32, #tpu.memory_space<vmem>>, %arg3: memref<10112x64xf32, #tpu.memory_space<vmem>>) attributes {dimension_semantics = [#tpu.dimension_semantics<arbitrary>], iteration_bounds = array<i64: 1>, scalar_prefetch = 0 : i64, scratch_operands = 0 : i64, tpu.core_type = #tpu.core_type<tc>, window_params = [{pipeline_mode = #tpu.pipeline_mode<synchronous>, transform_indices = @transform_0, window_bounds = array<i64: 10000, 64>}, {transform_indices = @transform_1, window_bounds = array<i64: 2, 10000, 16>}, {pipeline_mode = #tpu.pipeline_mode<synchronous>, transform_indices = @transform_2, window_bounds = array<i64: 10112, 64>}]} {
    %get3A = arith.constant 0 : index
    %get3A_0 = arith.constant 0 : index
    %get3A_1 = arith.constant 0 : index
    %get3A_2 = vector.load %arg2[%get3A, %get3A_0, %get3A_1] : memref<2x10000x16xf32, #tpu.memory_space<vmem>>, vector<1x10000x16xf32>
    %get3A_3 = vector.shape_cast %get3A_2 : vector<1x10000x16xf32> to vector<10000x16xf32>
    %get3A_4 = arith.constant 1 : index
    %get3A_5 = arith.constant 0 : index
    %get3A_6 = arith.constant 0 : index
    %get3A_7 = vector.load %arg2[%get3A_4, %get3A_5, %get3A_6] : memref<2x10000x16xf32, #tpu.memory_space<vmem>>, vector<1x10000x16xf32>
    %get3A_8 = vector.shape_cast %get3A_7 : vector<1x10000x16xf32> to vector<10000x16xf32>
    %add3A = arith.addf %get3A_3, %get3A_8 : vector<10000x16xf32>
    %slice3A = vector.extract_strided_slice %add3A {offsets = [0, 0], sizes = [10000, 1], strides = [1, 1]} : vector<10000x16xf32> to vector<10000x1xf32>
    %add3A_9 = arith.constant 1.000000e+00 : f32
    %add3A_10 = vector.broadcast %add3A_9 : f32 to vector<10000x1xf32>
    %add3A_11 = arith.addf %slice3A, %add3A_10 : vector<10000x1xf32>
    %rsqrt3A = math.rsqrt %add3A_11 : vector<10000x1xf32>
    %get3A_12 = arith.constant 0 : index
    %get3A_13 = arith.constant 0 : index
    %get3A_14 = vector.load %arg1[%get3A_12, %get3A_13] : memref<10000x64xf32, #tpu.memory_space<vmem>>, vector<10000x64xf32>
    %mul3A = vector.broadcast %rsqrt3A : vector<10000x1xf32> to vector<10000x64xf32>
    %mul3A_15 = arith.mulf %get3A_14, %mul3A : vector<10000x64xf32>
    %broadcast_in_dim3A = arith.constant 0.000000e+00 : f32
    %broadcast_in_dim3A_16 = vector.broadcast %broadcast_in_dim3A : f32 to vector<112x64xf32>
    %concatenate3A = tpu.concatenate %mul3A_15, %broadcast_in_dim3A_16 in 0 : vector<10000x64xf32>, vector<112x64xf32> -> vector<10112x64xf32>
    %swap3A = arith.constant 0 : index
    %swap3A_17 = arith.constant 0 : index
    %swap3A_18 = vector.load %arg3[%swap3A, %swap3A_17] : memref<10112x64xf32, #tpu.memory_space<vmem>>, vector<10112x64xf32>
    tpu.vector_store %arg3[%swap3A, %swap3A_17], %concatenate3A {strides = array<i32>} : memref<10112x64xf32, #tpu.memory_space<vmem>>, vector<10112x64xf32>,
    return
  }
  func.func @transform_0(%arg0: i32) -> (i32, i32) {
    %c0_i32 = arith.constant 0 : i32
    %c0_i32_0 = arith.constant 0 : i32
    %c0_i32_1 = arith.constant 0 : i32
    return %c0_i32, %c0_i32_0 : i32, i32
  }
  func.func @transform_1(%arg0: i32) -> (i32, i32, i32) {
    %c0_i32 = arith.constant 0 : i32
    %c0_i32_0 = arith.constant 0 : i32
    %c0_i32_1 = arith.constant 0 : i32
    %c0_i32_2 = arith.constant 0 : i32
    return %c0_i32, %c0_i32_0, %c0_i32_1 : i32, i32, i32
  }
  func.func @transform_2(%arg0: i32) -> (i32, i32) {
    %c0_i32 = arith.constant 0 : i32
    %c0_i32_0 = arith.constant 0 : i32
    %c0_i32_1 = arith.constant 0 : i32
    return %c0_i32, %c0_i32_0 : i32, i32
  }
}

module attributes {stable_mosaic.version = 14 : i64} {
  func.func @_head_body(%arg0: i32, %arg1: memref<2x10000x64xf32, #tpu.memory_space<vmem>>, %arg2: memref<10000x64xf32, #tpu.memory_space<vmem>>, %arg3: memref<2x10000x16xf32, #tpu.memory_space<vmem>>, %arg4: memref<1x64xf32, #tpu.memory_space<vmem>>, %arg5: memref<1x64xf32, #tpu.memory_space<vmem>>, %arg6: memref<1x1xf32, #tpu.memory_space<vmem>>, %arg7: memref<10000x1xf32, #tpu.memory_space<vmem>>) attributes {dimension_semantics = [#tpu.dimension_semantics<arbitrary>], iteration_bounds = array<i64: 1>, scalar_prefetch = 0 : i64, scratch_operands = 0 : i64, tpu.core_type = #tpu.core_type<tc>, window_params = [{transform_indices = @transform_0, window_bounds = array<i64: 2, 10000, 64>}, {transform_indices = @transform_1, window_bounds = array<i64: 10000, 64>}, {transform_indices = @transform_2, window_bounds = array<i64: 2, 10000, 16>}, {pipeline_mode = #tpu.pipeline_mode<synchronous>, transform_indices = @transform_3, window_bounds = array<i64: 1, 64>}, {pipeline_mode = #tpu.pipeline_mode<synchronous>, transform_indices = @transform_4, window_bounds = array<i64: 1, 64>}, {pipeline_mode = #tpu.pipeline_mode<synchronous>, transform_indices = @transform_5, window_bounds = array<i64: 1, 1>}, {pipeline_mode = #tpu.pipeline_mode<synchronous>, transform_indices = @transform_6, window_bounds = array<i64: 10000, 1>}]} {
    %get3A = arith.constant 0 : index
    %get3A_0 = arith.constant 0 : index
    %get3A_1 = arith.constant 0 : index
    %get3A_2 = vector.load %arg3[%get3A, %get3A_0, %get3A_1] : memref<2x10000x16xf32, #tpu.memory_space<vmem>>, vector<1x10000x16xf32>
    %get3A_3 = vector.shape_cast %get3A_2 : vector<1x10000x16xf32> to vector<10000x16xf32>
    %get3A_4 = arith.constant 1 : index
    %get3A_5 = arith.constant 0 : index
    %get3A_6 = arith.constant 0 : index
    %get3A_7 = vector.load %arg3[%get3A_4, %get3A_5, %get3A_6] : memref<2x10000x16xf32, #tpu.memory_space<vmem>>, vector<1x10000x16xf32>
    %get3A_8 = vector.shape_cast %get3A_7 : vector<1x10000x16xf32> to vector<10000x16xf32>
    %add3A = arith.addf %get3A_3, %get3A_8 : vector<10000x16xf32>
    %slice3A = vector.extract_strided_slice %add3A {offsets = [0, 0], sizes = [10000, 1], strides = [1, 1]} : vector<10000x16xf32> to vector<10000x1xf32>
    %add3A_9 = arith.constant 1.000000e+00 : f32
    %add3A_10 = vector.broadcast %add3A_9 : f32 to vector<10000x1xf32>
    %add3A_11 = arith.addf %slice3A, %add3A_10 : vector<10000x1xf32>
    %rsqrt3A = math.rsqrt %add3A_11 : vector<10000x1xf32>
    %get3A_12 = arith.constant 0 : index
    %get3A_13 = arith.constant 0 : index
    %get3A_14 = arith.constant 0 : index
    %get3A_15 = vector.load %arg1[%get3A_12, %get3A_13, %get3A_14] : memref<2x10000x64xf32, #tpu.memory_space<vmem>>, vector<1x10000x64xf32>
    %get3A_16 = vector.shape_cast %get3A_15 : vector<1x10000x64xf32> to vector<10000x64xf32>
    %get3A_17 = arith.constant 1 : index
    %get3A_18 = arith.constant 0 : index
    %get3A_19 = arith.constant 0 : index
    %get3A_20 = vector.load %arg1[%get3A_17, %get3A_18, %get3A_19] : memref<2x10000x64xf32, #tpu.memory_space<vmem>>, vector<1x10000x64xf32>
    %get3A_21 = vector.shape_cast %get3A_20 : vector<1x10000x64xf32> to vector<10000x64xf32>
    %add3A_22 = arith.addf %get3A_16, %get3A_21 : vector<10000x64xf32>
    %get3A_23 = arith.constant 0 : index
    %get3A_24 = arith.constant 0 : index
    %get3A_25 = vector.load %arg2[%get3A_23, %get3A_24] : memref<10000x64xf32, #tpu.memory_space<vmem>>, vector<10000x64xf32>
    %add3A_26 = arith.addf %add3A_22, %get3A_25 : vector<10000x64xf32>
    %mul3A = vector.broadcast %rsqrt3A : vector<10000x1xf32> to vector<10000x64xf32>
    %mul3A_27 = arith.mulf %add3A_26, %mul3A : vector<10000x64xf32>
    %get3A_28 = arith.constant 0 : index
    %get3A_29 = arith.constant 0 : index
    %get3A_30 = vector.load %arg4[%get3A_28, %get3A_29] : memref<1x64xf32, #tpu.memory_space<vmem>>, vector<1x64xf32>
    %add3A_31 = vector.broadcast %get3A_30 : vector<1x64xf32> to vector<10000x64xf32>
    %add3A_32 = arith.addf %mul3A_27, %add3A_31 : vector<10000x64xf32>
    %max3A = arith.constant 0.000000e+00 : f32
    %max3A_33 = vector.broadcast %max3A : f32 to vector<10000x64xf32>
    %max3A_34 = arith.maximumf %add3A_32, %max3A_33 : vector<10000x64xf32>
    %get3A_35 = arith.constant 0 : index
    %get3A_36 = arith.constant 0 : index
    %get3A_37 = vector.load %arg5[%get3A_35, %get3A_36] : memref<1x64xf32, #tpu.memory_space<vmem>>, vector<1x64xf32>
    %mul3A_38 = vector.broadcast %get3A_37 : vector<1x64xf32> to vector<10000x64xf32>
    %mul3A_39 = arith.mulf %max3A_34, %mul3A_38 : vector<10000x64xf32>
    %reduce_sum3A = arith.constant dense<0.000000e+00> : vector<10000xf32>
    %reduce_sum3A_40 = vector.multi_reduction <add>, %mul3A_39, %reduce_sum3A [1] : vector<10000x64xf32> to vector<10000xf32>
    %broadcast_in_dim3A = vector.shape_cast %reduce_sum3A_40 : vector<10000xf32> to vector<10000x1xf32>
    %get3A_41 = arith.constant 0 : index
    %get3A_42 = arith.constant 0 : index
    %get3A_43 = vector.load %arg6[%get3A_41, %get3A_42] : memref<1x1xf32, #tpu.memory_space<vmem>>, vector<1x1xf32>
    %add3A_44 = vector.broadcast %get3A_43 : vector<1x1xf32> to vector<10000x1xf32>
    %add3A_45 = arith.addf %broadcast_in_dim3A, %add3A_44 : vector<10000x1xf32>
    %logistic3A = arith.negf %add3A_45 : vector<10000x1xf32>
    %logistic3A_46 = math.exp %logistic3A : vector<10000x1xf32>
    %logistic3A_47 = arith.constant 1.000000e+00 : f32
    %logistic3A_48 = vector.broadcast %logistic3A_47 : f32 to vector<10000x1xf32>
    %logistic3A_49 = arith.addf %logistic3A_48, %logistic3A_46 : vector<10000x1xf32>
    %logistic3A_50 = arith.divf %logistic3A_48, %logistic3A_49 : vector<10000x1xf32>
    %swap3A = arith.constant 0 : index
    %swap3A_51 = arith.constant 0 : index
    %swap3A_52 = vector.load %arg7[%swap3A, %swap3A_51] : memref<10000x1xf32, #tpu.memory_space<vmem>>, vector<10000x1xf32>
    tpu.vector_store %arg7[%swap3A, %swap3A_51], %logistic3A_50 {strides = array<i32>} : memref<10000x1xf32, #tpu.memory_space<vmem>>, vector<10000x1xf32>,
    return
  }
  func.func @transform_0(%arg0: i32) -> (i32, i32, i32) {
    %c0_i32 = arith.constant 0 : i32
    %c0_i32_0 = arith.constant 0 : i32
    %c0_i32_1 = arith.constant 0 : i32
    %c0_i32_2 = arith.constant 0 : i32
    return %c0_i32, %c0_i32_0, %c0_i32_1 : i32, i32, i32
  }
  func.func @transform_1(%arg0: i32) -> (i32, i32) {
    %c0_i32 = arith.constant 0 : i32
    %c0_i32_0 = arith.constant 0 : i32
    %c0_i32_1 = arith.constant 0 : i32
    return %c0_i32, %c0_i32_0 : i32, i32
  }
  func.func @transform_2(%arg0: i32) -> (i32, i32, i32) {
    %c0_i32 = arith.constant 0 : i32
    %c0_i32_0 = arith.constant 0 : i32
    %c0_i32_1 = arith.constant 0 : i32
    %c0_i32_2 = arith.constant 0 : i32
    return %c0_i32, %c0_i32_0, %c0_i32_1 : i32, i32, i32
  }
  func.func @transform_3(%arg0: i32) -> (i32, i32) {
    %c0_i32 = arith.constant 0 : i32
    %c0_i32_0 = arith.constant 0 : i32
    %c0_i32_1 = arith.constant 0 : i32
    return %c0_i32, %c0_i32_0 : i32, i32
  }
  func.func @transform_4(%arg0: i32) -> (i32, i32) {
    %c0_i32 = arith.constant 0 : i32
    %c0_i32_0 = arith.constant 0 : i32
    %c0_i32_1 = arith.constant 0 : i32
    return %c0_i32, %c0_i32_0 : i32, i32
  }
  func.func @transform_5(%arg0: i32) -> (i32, i32) {
    %c0_i32 = arith.constant 0 : i32
    %c0_i32_0 = arith.constant 0 : i32
    %c0_i32_1 = arith.constant 0 : i32
    return %c0_i32, %c0_i32_0 : i32, i32
  }
  func.func @transform_6(%arg0: i32) -> (i32, i32) {
    %c0_i32 = arith.constant 0 : i32
    %c0_i32_0 = arith.constant 0 : i32
    %c0_i32_1 = arith.constant 0 : i32
    return %c0_i32, %c0_i32_0 : i32, i32
  }
}

</mosaic_0001>

<sc_bundles>
// kernel: kernel.10.cloned.1.call-start
scs
__scs_entry_jumppad:
0x0: {  	(pc) =	sbr.rel $0x88, $3  }
0x1: {  	(tag) =	ssettag $0x0;
	lr =	simm.s32 $0x1  }
0x2: {  	[smem:$0x3F9B] =	sst lr;
	_ =	strace $0xD0000000  }
0x3: {  	_ = 	snop  }
0x4: {  	_ = 	snop  }
0x5: {  	_ = 	snop  }
0x6: {  	_ = 	snop  }
0x7: {  	_ = 	snop  }
__scs_overlays_trampoline_lowered:
0x8: {  	[smem:$0x3FAA] =	sst s0  }
0x9: {  	[smem:$0x3FAB] =	sst s1  }
0xa: {  	[smem:$0x3FAC] =	sst s2  }
0xb: {  	[smem:$0x3FAD] =	sst s3  }
0xc: {  	[smem:$0x3FAE] =	sst s4  }
0xd: {  	[smem:$0x3FAF] =	sst s5  }
0xe: {  	[smem:$0x3FB0] =	sst s6  }
0xf: {  	[smem:$0x3FB1] =	sst s7  }
0x10: {  	[smem:$0x3FB2] =	sst s8  }
0x11: {  	[smem:$0x3FB3] =	sst s9;
	s0 =	simm.s32 @!p0 $0x0  }
0x12: {  	s1 =	sld [smem:$0x3F99];
	s0 =	simm.s32 @p0 $0x1  }
0x13: {  	[smem:$0x3FB4] =	sst s0;
	s0 =	simm.s32 @!p1 $0x0  }
0x14: {  	s2 =	sld [smem:$0x3F98];
	s0 =	simm.s32 @p1 $0x1  }
0x15: {  	[smem:$0x3FB5] =	sst s0;
	s0 =	simm.s32 @!p2 $0x0  }
0x16: {  	s3 =	sld [smem:$0x3FDB];
	s0 =	simm.s32 @p2 $0x1  }
0x17: {  	s4 =	simm.s32 $0x1BF5;
	[smem:$0x3FB7] =	sst s0  }
0x18: {  	s0 =	sld [smem:$0x3F9A];
	_ =	swait.ge [sflag:s4], $0x0  }
0x19: {  	s7 =	sld [smem:$0x3F9B]  }
0x1a: {  	s8 =	sadd.s32 $0xFFFFE003, lr  }
0x1b: {  	s9 =	sadd.s32 $0xFFFFFEF7, lr;
	s5 =	simm.s32 $0xFFFFFFFF;
	p2 =	slt.u32 s8, $0xFFFFF086  }
0x1c: {  	p1 =	slt.u32 s9, $0xF7A;
	s5 =	simm.s32 @!p2 $0x0  }
0x1d: {  	s5 =	simm.s32 @p1 $0x1;
	p0 =	seq.s32 s7, s2  }
0x1e: {  	s7 =	smul.u32 @!p0 $0xF7A, s2;
	p2 =	seq.s32 @!p0 s5, $0x0  }
0x1f: {  	s9 =	smul.u32 $0xF7A, s1;
	s8 =	simm.s32 @!p0 $0x1BF5;
	p2 =	por !p2, p0  }
0x20: {  	[sflag:s8] =	ssyncset.s32 @!p0 $0xFFFFF086;
	s6 =	sadd.s32 @!p0 s3, s7;
	s7 =	simm.s32 @!p0 $0x108  }
0x21: {  	s3 =	sadd.s32 s3, s9;
	s6 =	sadd.s32 @!p0 $0x88, s6;
	s7 =	simm.s32 @p2 $0x1082  }
0x22: {  	[simem:s7], [sflag:s8] =	dma.local @!p0 [hbm:s6], $0xF7A  }
0x23: {  	s9 =	sor.u32 $0xD0000000, s2;
	s6 =	simm.s32 $0x108;
	_ =	swait.ge @!p0 [sflag:s8], $0x0  }
0x24: {  	s3 =	sadd.s32 $0x88, s3;
	s6 =	simm.s32 @!p1 $0x1082;
	[sflag:s4] =	ssyncset.s32 $0xFFFFF086  }
0x25: {  	[simem:s6], [sflag:s4] =	dma.local [hbm:s3], $0xF7A  }
0x26: {  	[smem:$0x3F9B] =	sst s1;
	(tag) =	ssettag s2;
	_ =	strace s9  }
0x27: {  	s1 =	sld [smem:$0x3FAB]  }
0x28: {  	s2 =	sld [smem:$0x3FAC]  }
0x29: {  	s4 =	sld [smem:$0x3FAE]  }
0x2a: {  	p0 =	seq.s32 s5, $0x0;
	s5 =	sld [smem:$0x3FAF]  }
0x2b: {  	s6 =	sld [smem:$0x3FB0]  }
0x2c: {  	s7 =	sld [smem:$0x3FB1]  }
0x2d: {  	s3 =	simm.s32 $0x108;
	s8 =	sld [smem:$0x3FB2]  }
0x2e: {  	s3 =	simm.s32 @!p0 $0x1082;
	s9 =	sld [smem:$0x3FB3]  }
0x2f: {  	lr =	sadd.s32 s0, s3;
	s0 =	sld [smem:$0x3FAA]  }
0x30: {  	s3 =	sld [smem:$0x3FAD]  }
0x31: {  	[smem:$0x3FB6] =	sst s10  }
0x32: {  	s10 =	sld [smem:$0x3FB4];
	_ =	sdelay $0x3  }
0x33: {  	p0 =	seq.s32 s10, $0x1;
	s10 =	sld [smem:$0x3FB6];
	_ =	sdelay $0x3  }
0x34: {  	[smem:$0x3FB6] =	sst s10  }
0x35: {  	s10 =	sld [smem:$0x3FB5];
	_ =	sdelay $0x3  }
0x36: {  	p1 =	seq.s32 s10, $0x1;
	s10 =	sld [smem:$0x3FB6];
	_ =	sdelay $0x3  }
0x37: {  	[smem:$0x3FB6] =	sst s10  }
0x38: {  	s10 =	sld [smem:$0x3FB7]  }
0x39: {  	_ = 	snop;
	(pc) =	sbr.ind lr, $3  }
0x3a: {  	_ = 	snop  }
0x3b: {  	_ = 	snop  }
0x3c: {  	p2 =	seq.s32 s10, $0x1;
	s10 =	sld [smem:$0x3FB6]  }
0x3d: {  	_ =	shalt  }
0x3e: {  	_ =	shalt  }
0x3f: {  	_ =	shalt  }
0x40: {  	_ =	shalt  }
0x41: {  	_ =	shalt  }
0x42: {  	_ =	shalt  }
0x43: {  	_ =	shalt  }
0x44: {  	_ =	shalt  }
0x45: {  	_ =	shalt  }
0x46: {  	_ =	shalt  }
0x47: {  	_ =	shalt  }
0x48: {  	_ =	shalt  }
0x49: {  	_ =	shalt  }
0x4a: {  	_ =	shalt  }
0x4b: {  	_ =	shalt  }
0x4c: {  	_ =	shalt  }
0x4d: {  	_ =	shalt  }
0x4e: {  	_ =	shalt  }
0x4f: {  	_ =	shalt  }
0x50: {  	_ =	shalt  }
0x51: {  	_ =	shalt  }
0x52: {  	_ =	shalt  }
0x53: {  	_ =	shalt  }
0x54: {  	_ =	shalt  }
0x55: {  	_ =	shalt  }
0x56: {  	_ =	shalt  }
0x57: {  	_ =	shalt  }
0x58: {  	_ =	shalt  }
0x59: {  	_ =	shalt  }
0x5a: {  	_ =	shalt  }
0x5b: {  	_ =	shalt  }
0x5c: {  	_ =	shalt  }
0x5d: {  	_ =	shalt  }
0x5e: {  	_ =	shalt  }
0x5f: {  	_ =	shalt  }
0x60: {  	_ =	shalt  }
0x61: {  	_ =	shalt  }
0x62: {  	_ =	shalt  }
0x63: {  	_ =	shalt  }
0x64: {  	_ =	shalt  }
0x65: {  	_ =	shalt  }
0x66: {  	_ =	shalt  }
0x67: {  	_ =	shalt  }
0x68: {  	_ =	shalt  }
0x69: {  	_ =	shalt  }
0x6a: {  	_ =	shalt  }
0x6b: {  	_ =	shalt  }
0x6c: {  	_ =	shalt  }
0x6d: {  	_ =	shalt  }
0x6e: {  	_ =	shalt  }
0x6f: {  	_ =	shalt  }
0x70: {  	_ =	shalt  }
0x71: {  	_ =	shalt  }
0x72: {  	_ =	shalt  }
0x73: {  	_ =	shalt  }
0x74: {  	_ =	shalt  }
0x75: {  	_ =	shalt  }
0x76: {  	_ =	shalt  }
0x77: {  	_ =	shalt  }
0x78: {  	_ =	shalt  }
0x79: {  	_ =	shalt  }
0x7a: {  	_ =	shalt  }
0x7b: {  	_ =	shalt  }
0x7c: {  	_ =	shalt  }
0x7d: {  	_ =	shalt  }
0x7e: {  	_ =	shalt  }
0x7f: {  	_ =	shalt  }
0x80: {  	_ =	shalt  }
0x81: {  	_ =	shalt  }
0x82: {  	_ =	shalt  }
0x83: {  	_ =	shalt  }
0x84: {  	_ =	shalt  }
0x85: {  	_ =	shalt  }
0x86: {  	_ =	shalt  }
0x87: {  	_ =	shalt  }
.Lfunc_end0:
.L_simem_size_0:
called_computation.1_lowered:
.L_overlay_start_0:
0x88: {  	s2 =	sld [smem:$0x3FD9]  }
0x89: {  	s3 =	sld [smem:$0x3FFE];
	_ =	sdelay $0x1  }
0x8a: {  	s1 =	srdreg.scid  }
0x8b: {  	s0 =	sand.u32 $0x1, s1  }
0x8c: {  	s16 =	sshll.u32 s0, $0xA;
	s2 =	sadd.s32 s3, s2  }
0x8d: {  	s2 =	sadd.s32 s2, s16  }
0x8e: {  	[smem:$0x3FC2] =	sst s2  }
0x8f: {  	_ = 	snop  }
0x90: {  	(tm) =	ssettm $0x1  }
0x91: {  	s17 =	sld [smem:$0x3FFB];
	_ =	sdelay $0x3  }
0x92: {  	_ =	strace s17  }
0x93: {  	s2 =	sld [smem:$0x3FFC];
	_ =	sdelay $0x3  }
0x94: {  	_ =	strace s2  }
0x95: {  	s2 =	sld [smem:$0x3FFD];
	_ =	sdelay $0x3  }
0x96: {  	_ =	strace s2  }
0x97: {  	_ =	strace $0x8FFFFFFF  }
0x98: {  	s18 =	sld [smem:$0x3FDB];
	_ =	sdelay $0x1  }
0x99: {  	s19 =	simm.s32 $_scs_section_size  }
0x9a: {  	s4 =	simm.s32 $_size__tile_overlayer_lowered;
	s5 =	simm.s32 $_tile_overlayer_lowered  }
0x9b: {  	s22 =	simm.s32 $0x1BFF;
	s21 =	sshll.u32 s5, $0x1;
	s2 =	sadd.s32 s19, s18  }
0x9c: {  	s6 =	simm.s32 $0x0;
	s20 =	sshll.u32 s4, $0x1;
	s4 =	sadd.s32 s21, s2  }
0x9d: {  	[timem:s6], [sflag:s22] =	dma.local [hbm:s4], s20  }
0x9e: {  	_ =	swait.ge [sflag:s22], s20  }
0x9f: {  	s3 =	ssub.s32 $0x0, s20;
	[sflag:s22] =	ssyncset.done $0x0  }
0xa0: {  	[sflag:s22] =	ssyncadd.s32 s3;
	_ =	sdelay $0x1  }
0xa1: {  	s23 =	simm.s32 $0x1B8B  }
0xa2: {  	_ =	swait.ge [sflag:s23], $0x1  }
0xa3: {  	[sflag:s23] =	ssyncset.done $0x0  }
0xa4: {  	s25 =	simm.s32 $0x1B8E;
	s24 =	sld [smem:$0x3FFE];
	[sflag:s23] =	ssyncadd.s32 $0xFFFFFFFF  }
0xa5: {  	s26 =	simm.s32 $execute0_lowered;
	[smem:$0x3FD2] =	sst s25  }
0xa6: {  	s4 =	sshll.u32 s26, $0x1;
	_ =	strace $0x80000049;
	[dreg:$0x1] =	wrdreg $0xFFFFFFFF  }
0xa7: {  	s28 =	simm.s32 $_size_execute0_lowered;
	s2 =	sadd.s32 s2, s4;
	[dreg:$0x0] =	wrdreg $0x0  }
0xa8: {  	s4 =	sshll.u32 s28, $0x1;
	[dreg:$0x2] =	wrdreg s2  }
0xa9: {  	[dreg:$0x3] =	wrdreg s4  }
0xaa: {  	[dreg:$0x4] =	wrdreg $0xC0  }
0xab: {  	_ =	task [dreg:s6], $0x5FFFF  }
0xac: {  	[dreg:$0x1] =	wrdreg $0xFFFFFFFF  }
0xad: {  	[dreg:$0x0] =	wrdreg $0x60  }
0xae: {  	[dreg:$0x2] =	wrdreg s24  }
0xaf: {  	[dreg:$0x3] =	wrdreg $0x120000  }
0xb0: {  	[dreg:$0x4] =	wrdreg $0x9  }
0xb1: {  	_ =	task.clear_ibuf [dreg:s6], $0x5FFFF;
	_ =	strace $0x90000049  }
0xb2: {  	s29 =	simm.s32 $0x9;
	_ =	strace $0x8000004B  }
0xb3: {  	_ =	swait.ge [sflag:s29], $0x1  }
0xb4: {  	[sflag:s29] =	ssyncadd.s32 $0xFFFFFFFF  }
0xb5: {  	_ =	strace $0x9000004B  }
0xb6: {  	_ =	sfence  }
0xb7: {  	s30 =	sld [smem:$0x0];
	_ =	sdelay $0x2  }
0xb8: {  	s31 =	sshll.u32 s1, $0xD;
	s1 =	sshrl.u32 s1, $0x2  }
0xb9: {  	s3 =	sand.u32 $0x4000, s31;
	s1 =	sadd.s32 s1, s30  }
0xba: {  	s0 =	sor.u32 s3, s0;
	s1 =	sshll.u32 s1, $0x11  }
0xbb: {  	s0 =	sor.u32 s1, s0  }
0xbc: {  	s0 =	sadd.s32 $0x8F2B, s0  }
0xbd: {  	[sflag:s0] =	ssyncadd.remote.s32 $0x1  }
0xbe: {  	_ =	sfence.sel $0xFFFF  }
0xbf: {  	[dreg:$0x0] =	wrdreg $0xFFFFFFFF;
	(pc) =	sbr.abs _section_cstart, $3  }
0xc0: {  	[dreg:$0x1] =	wrdreg $0xFFFFFFFF  }
0xc1: {  	_ =	task.clear_ibuf [dreg:s6], $0x2FFFF;
	_ =	strace $0x9FFFFFFF  }
0xc2: {  	(tm) =	ssettm $0x7FFFFFFF  }
0xc3: {  	_ =	shalt  }
tec
execute0_lowered:
.L_overlay_start_1:
0x0: {  	(tag) =	ssettag $0x1  }
0x1: {  	s0 =	srdreg.scid  }
0x2: {  	s1 =	rddreg [dreg:$0x0];
	s10 =	stileid.u32  }
0x3: {  	s2 =	rddreg [dreg:$0x1];
	s3 =	simm.s32 $0x0;
	s14 =	simm.s32 $0x80  }
0x4: {  	s15 =	simm.s32 $0xA000;
	s16 =	simm.s32 $0xC000;
	s18 =	simm.s32 $0xE000  }
0x5: {  	s20 =	simm.s32 $0x10000;
	s21 =	simm.s32 $0x1;
	s22 =	simm.s32 $0x5  }
0x6: {  	s23 =	simm.s32 $0x2;
	s24 =	simm.s32 $0x6;
	s25 =	simm.s32 $0x3  }
0x7: {  	s28 =	simm.s32 $0x4;
	s29 =	simm.s32 $0x8;
	s5 =	smul.u32 $0x5000, s10  }
0x8: {  	s31 =	simm.s32 $0x9E80;
	s0 =	sand.u32 $0x1, s0;
	s7 =	smul.u32 $0x9E00, s10  }
0x9: {  	[smem:$0x7FF] =	sst s3;
	s30 =	sshll.u32 s10, $0x6;
	s4 =	smul.u32 $0x50000, s0  }
0xa: {  	s10 =	simm.s32 $0x9;
	s26 =	smul.u32 $0x9E000, s0;
	_ =	strace $0x8000004A  }
0xb: {  	s0 =	ssub.s32 $0x2, s0;
	s12 =	sor.u32 $0x1C09, s30;
	s8 =	sshrl.u32 s7, $0x3  }
0xc: {  	s9 =	sshrl.u32 s0, $0x1;
	s11 =	sadd.s32 s7, s2;
	s4 =	sadd.s32 s5, s4  }
0xd: {  	s5 =	sadd.s32 s7, s26;
	s8 =	sadd.s32 s8, s1;
	s0 =	ssub.s32 s0, s9  }
0xe: {  	s13 =	sshrl.u32 s11, $0x3;
	s26 =	simm.s32 $0x7;
	s11 =	simm.s32 $0x0  }
0xf: {  	s4 =	sshrl.u32 s4, $0x3;
	s5 =	sshrl.u32 s5, $0x3;
	s7 =	sadd.s32 $0xB4A00, s8  }
0x10: {  	s9 =	smax.u32 s0, $0x1;
	s0 =	simm.s32 $0x9F80;
	s6 =	sadd.s32 s4, s1  }
0x11: {  	s4 =	sadd.s32 $0xA0E00, s1;
	s1 =	sadd.s32 s5, s1;
	s5 =	sadd.s32 $0x16600, s6  }
0x12: {  	s6 =	sadd.s32 $0x2600, s6;
	s8 =	sadd.s32 $0xC8600, s1;
	s1 =	simm.s32 $0x9F00  }
.LBB2_1:
0x13: {  	[tilespmem:s3], [sflag:$0x9] =	stream.linear.gather [hbm4b:s5+s3], $0x5000, $0x38;
	[tilespmem:$0x1BE00] =	vst v63  }
0x14: {  	_ =	swait.ge [sflag:s10], $0x5000  }
0x15: {  	[sflag:s10] =	ssyncset.done $0x0  }
0x16: {  	s17 =	simm.s32 $0x5000;
	[sflag:s10] =	ssyncadd.s32 $0xFFFFB000  }
0x17: {  	[tilespmem:s17], [sflag:$0x9] =	stream.linear.gather [hbm4b:s6+s3], $0x5000, $0x38;
	[tilespmem:$0x1BE00] =	vst v63  }
0x18: {  	_ =	swait.ge [sflag:s10], $0x5000  }
0x19: {  	[sflag:s10] =	ssyncset.done $0x0  }
0x1a: {  	[sflag:s10] =	ssyncadd.s32 $0xFFFFB000  }
0x1b: {  	[spmem:s13], [sflag:s12] =	dma.local [hbm:s7], $0x13C0  }
0x1c: {  	_ =	swait.ge [sflag:s10], $0x13C0  }
0x1d: {  	[sflag:s10] =	ssyncset.done $0x0  }
0x1e: {  	[sflag:s10] =	ssyncadd.s32 $0xFFFFEC40  }
0x1f: {  	[bflag:$0x0] =	sbarrier.arrive $0xFFFF  }
0x20: {  	[tilespmem:s15], [sflag:$0x1] =	stream.indirect.gather [hbm4b:s4+s14], $0x40, s3, s14, $0xb8;
	[tilespmem:$0x1BE00] =	vst v63  }
0x21: {  	_ = 	snop  }
0x22: {  	[tilespmem:s16], [sflag:$0x2] =	stream.indirect.gather [hbm4b:s4+s14], $0x40, s14, s14, $0xb8;
	[tilespmem:$0x1BE00] =	vst v63  }
0x23: {  	s30 =	simm.s32 $0x100  }
0x24: {  	[tilespmem:s18], [sflag:$0x3] =	stream.indirect.gather [hbm4b:s4+s14], $0x40, s30, s14, $0xb8;
	[tilespmem:$0x1BE00] =	vst v63  }
0x25: {  	s19 =	simm.s32 $0x180  }
0x26: {  	[tilespmem:s20], [sflag:$0x4] =	stream.indirect.gather [hbm4b:s4+s14], $0x40, s19, s14, $0xb8;
	[tilespmem:$0x1BE00] =	vst v63  }
0x27: {  	_ =	swait.ge [sflag:s21], $0x2000  }
0x28: {  	[sflag:s21] =	ssyncset.done $0x0  }
0x29: {  	s30 =	simm.s32 $0x5000;
	[sflag:s21] =	ssyncadd.s32 $0xFFFFE000  }
0x2a: {  	[spmem:s2] =	stream.indirect.scatter.add.f32 [tilespmem:s15], [sflag:$0x5], $0x40, s30, s14, $0xb8;
	[tilespmem:$0x1BE00] =	vst v63  }
0x2b: {  	_ =	swait.ge [sflag:s22], $0x2000  }
0x2c: {  	[sflag:s22] =	ssyncset.done $0x0  }
0x2d: {  	s19 =	simm.s32 $0x200;
	[sflag:s22] =	ssyncadd.s32 $0xFFFFE000  }
0x2e: {  	[tilespmem:s15], [sflag:$0x1] =	stream.indirect.gather [hbm4b:s4+s14], $0x40, s19, s14, $0xb8;
	[tilespmem:$0x1BE00] =	vst v63  }
0x2f: {  	_ =	swait.ge [sflag:s23], $0x2000  }
0x30: {  	[sflag:s23] =	ssyncset.done $0x0  }
0x31: {  	s30 =	simm.s32 $0x5080;
	[sflag:s23] =	ssyncadd.s32 $0xFFFFE000  }
0x32: {  	[spmem:s2] =	stream.indirect.scatter.add.f32 [tilespmem:s16], [sflag:$0x6], $0x40, s30, s14, $0xb8;
	[tilespmem:$0x1BE00] =	vst v63  }
0x33: {  	_ =	swait.ge [sflag:s24], $0x2000  }
0x34: {  	[sflag:s24] =	ssyncset.done $0x0  }
0x35: {  	s19 =	simm.s32 $0x280;
	[sflag:s24] =	ssyncadd.s32 $0xFFFFE000  }
0x36: {  	[tilespmem:s16], [sflag:$0x2] =	stream.indirect.gather [hbm4b:s4+s14], $0x40, s19, s14, $0xb8;
	[tilespmem:$0x1BE00] =	vst v63  }
0x37: {  	_ =	swait.ge [sflag:s25], $0x2000  }
0x38: {  	[sflag:s25] =	ssyncset.done $0x0  }
0x39: {  	s30 =	simm.s32 $0x5100;
	[sflag:s25] =	ssyncadd.s32 $0xFFFFE000  }
0x3a: {  	[spmem:s2] =	stream.indirect.scatter.add.f32 [tilespmem:s18], [sflag:$0x7], $0x40, s30, s14, $0xb8;
	[tilespmem:$0x1BE00] =	vst v63  }
0x3b: {  	_ =	swait.ge [sflag:s26], $0x2000  }
0x3c: {  	[sflag:s26] =	ssyncset.done $0x0  }
0x3d: {  	s19 =	simm.s32 $0x300;
	[sflag:s26] =	ssyncadd.s32 $0xFFFFE000  }
0x3e: {  	[tilespmem:s18], [sflag:$0x3] =	stream.indirect.gather [hbm4b:s4+s14], $0x40, s19, s14, $0xb8;
	[tilespmem:$0x1BE00] =	vst v63  }
0x3f: {  	_ =	swait.ge [sflag:s28], $0x2000  }
0x40: {  	[sflag:s28] =	ssyncset.done $0x0  }
0x41: {  	s30 =	simm.s32 $0x5180;
	[sflag:s28] =	ssyncadd.s32 $0xFFFFE000  }
0x42: {  	[spmem:s2] =	stream.indirect.scatter.add.f32 [tilespmem:s20], [sflag:$0x8], $0x40, s30, s14, $0xb8;
	[tilespmem:$0x1BE00] =	vst v63  }
0x43: {  	_ =	swait.ge [sflag:s29], $0x2000  }
0x44: {  	[sflag:s29] =	ssyncset.done $0x0  }
0x45: {  	s17 =	simm.s32 $0x800;
	s19 =	simm.s32 $0x380;
	[sflag:s29] =	ssyncadd.s32 $0xFFFFE000  }
.LBB2_2:
0x46: {  	[tilespmem:s20], [sflag:$0x4] =	stream.indirect.gather [hbm4b:s4+s14], $0x40, s19, s14, $0xb8;
	[tilespmem:$0x1BE00] =	vst v63  }
0x47: {  	s19 =	smov.u32 s17  }
0x48: {  	p0 =	sne.s32 s17, $0x13000;
	s17 =	sadd.s32 $0x800, s17;
	_ =	swait.ge [sflag:s21], $0x2000  }
0x49: {  	s19 =	sshra.s32 s19, $0x2;
	[sflag:s21] =	ssyncset.done $0x0  }
0x4a: {  	s30 =	sadd.s32 $0x5000, s19;
	[sflag:s21] =	ssyncadd.s32 $0xFFFFE000  }
0x4b: {  	[spmem:s2] =	stream.indirect.scatter.add.f32 [tilespmem:s15], [sflag:$0x5], $0x40, s30, s14, $0xb8;
	[tilespmem:$0x1BE00] =	vst v63  }
0x4c: {  	_ =	swait.ge [sflag:s22], $0x2000  }
0x4d: {  	[sflag:s22] =	ssyncset.done $0x0  }
0x4e: {  	s30 =	sadd.s32 $0x200, s19;
	[sflag:s22] =	ssyncadd.s32 $0xFFFFE000  }
0x4f: {  	[tilespmem:s15], [sflag:$0x1] =	stream.indirect.gather [hbm4b:s4+s14], $0x40, s30, s14, $0xb8;
	[tilespmem:$0x1BE00] =	vst v63  }
0x50: {  	_ =	swait.ge [sflag:s23], $0x2000  }
0x51: {  	[sflag:s23] =	ssyncset.done $0x0  }
0x52: {  	s30 =	sadd.s32 $0x5080, s19;
	[sflag:s23] =	ssyncadd.s32 $0xFFFFE000  }
0x53: {  	[spmem:s2] =	stream.indirect.scatter.add.f32 [tilespmem:s16], [sflag:$0x6], $0x40, s30, s14, $0xb8;
	[tilespmem:$0x1BE00] =	vst v63  }
0x54: {  	_ =	swait.ge [sflag:s24], $0x2000  }
0x55: {  	[sflag:s24] =	ssyncset.done $0x0  }
0x56: {  	s30 =	sadd.s32 $0x280, s19;
	[sflag:s24] =	ssyncadd.s32 $0xFFFFE000  }
0x57: {  	[tilespmem:s16], [sflag:$0x2] =	stream.indirect.gather [hbm4b:s4+s14], $0x40, s30, s14, $0xb8;
	[tilespmem:$0x1BE00] =	vst v63  }
0x58: {  	_ =	swait.ge [sflag:s25], $0x2000  }
0x59: {  	[sflag:s25] =	ssyncset.done $0x0  }
0x5a: {  	s30 =	sadd.s32 $0x5100, s19;
	[sflag:s25] =	ssyncadd.s32 $0xFFFFE000  }
0x5b: {  	[spmem:s2] =	stream.indirect.scatter.add.f32 [tilespmem:s18], [sflag:$0x7], $0x40, s30, s14, $0xb8;
	[tilespmem:$0x1BE00] =	vst v63  }
0x5c: {  	_ =	swait.ge [sflag:s26], $0x2000  }
0x5d: {  	[sflag:s26] =	ssyncset.done $0x0  }
0x5e: {  	s30 =	sadd.s32 $0x300, s19;
	[sflag:s26] =	ssyncadd.s32 $0xFFFFE000  }
0x5f: {  	[tilespmem:s18], [sflag:$0x3] =	stream.indirect.gather [hbm4b:s4+s14], $0x40, s30, s14, $0xb8;
	[tilespmem:$0x1BE00] =	vst v63  }
0x60: {  	_ =	swait.ge [sflag:s28], $0x2000  }
0x61: {  	[sflag:s28] =	ssyncset.done $0x0  }
.Ltmp0:
0x62: {  	s30 =	sadd.s32 $0x5180, s19;
	[sflag:s28] =	ssyncadd.s32 $0xFFFFE000;
	(pc) =	sbr.rel @p0 .LBB2_2-.Ltmp0, $4  }
0x63: {  	[spmem:s2] =	stream.indirect.scatter.add.f32 [tilespmem:s20], [sflag:$0x8], $0x40, s30, s14, $0xb8;
	[tilespmem:$0x1BE00] =	vst v63  }
0x64: {  	_ =	swait.ge [sflag:s29], $0x2000  }
0x65: {  	[sflag:s29] =	ssyncset.done $0x0  }
0x66: {  	s19 =	sadd.s32 $0x380, s19;
	[sflag:s29] =	ssyncadd.s32 $0xFFFFE000  }
0x67: {  	[tilespmem:s20], [sflag:$0x4] =	stream.indirect.gather [hbm4b:s4+s14], $0x40, s19, s14, $0xb8;
	[tilespmem:$0x1BE00] =	vst v63  }
0x68: {  	_ =	swait.ge [sflag:s21], $0x2000  }
0x69: {  	[sflag:s21] =	ssyncset.done $0x0  }
0x6a: {  	s17 =	simm.s32 $0x9E00;
	[sflag:s21] =	ssyncadd.s32 $0xFFFFE000  }
0x6b: {  	[spmem:s2] =	stream.indirect.scatter.add.f32 [tilespmem:s15], [sflag:$0x5], $0x40, s17, s14, $0xb8;
	[tilespmem:$0x1BE00] =	vst v63  }
0x6c: {  	_ =	swait.ge [sflag:s23], $0x2000  }
0x6d: {  	[sflag:s23] =	ssyncset.done $0x0  }
0x6e: {  	[sflag:s23] =	ssyncadd.s32 $0xFFFFE000  }
0x6f: {  	[spmem:s2] =	stream.indirect.scatter.add.f32 [tilespmem:s16], [sflag:$0x6], $0x40, s31, s14, $0xb8;
	[tilespmem:$0x1BE00] =	vst v63  }
0x70: {  	_ =	swait.ge [sflag:s25], $0x2000  }
0x71: {  	[sflag:s25] =	ssyncset.done $0x0  }
0x72: {  	[sflag:s25] =	ssyncadd.s32 $0xFFFFE000  }
0x73: {  	[spmem:s2] =	stream.indirect.scatter.add.f32 [tilespmem:s18], [sflag:$0x7], $0x40, s1, s14, $0xb8;
	[tilespmem:$0x1BE00] =	vst v63  }
0x74: {  	_ =	swait.ge [sflag:s28], $0x2000  }
0x75: {  	[sflag:s28] =	ssyncset.done $0x0  }
0x76: {  	[sflag:s28] =	ssyncadd.s32 $0xFFFFE000  }
0x77: {  	[spmem:s2] =	stream.indirect.scatter.add.f32 [tilespmem:s20], [sflag:$0x8], $0x40, s0, s14, $0xb8;
	[tilespmem:$0x1BE00] =	vst v63  }
0x78: {  	_ =	swait.ge [sflag:s22], $0x2000  }
0x79: {  	[sflag:s22] =	ssyncset.done $0x0  }
0x7a: {  	[sflag:s22] =	ssyncadd.s32 $0xFFFFE000  }
0x7b: {  	_ =	swait.ge [sflag:s24], $0x2000  }
0x7c: {  	[sflag:s24] =	ssyncset.done $0x0  }
0x7d: {  	[sflag:s24] =	ssyncadd.s32 $0xFFFFE000  }
0x7e: {  	_ =	swait.ge [sflag:s26], $0x2000  }
0x7f: {  	[sflag:s26] =	ssyncset.done $0x0  }
0x80: {  	[sflag:s26] =	ssyncadd.s32 $0xFFFFE000  }
0x81: {  	_ =	swait.ge [sflag:s29], $0x2000  }
0x82: {  	s11 =	sadd.s32 $0x1, s11;
	[sflag:s29] =	ssyncset.done $0x0  }
0x83: {  	p0 =	sne.s32 s11, s9;
	[sflag:s29] =	ssyncadd.s32 $0xFFFFE000  }
.Ltmp1:
0x84: {  	[bflag:$0x0] =	sbarrier.arrive $0xFFFF;
	(pc) =	sbr.rel @p0 .LBB2_1-.Ltmp1, $4  }
0x85: {  	[hbm:s8], [sflag:s12] =	dma.local [spmem:s13], $0x13C0  }
0x86: {  	_ =	swait.ge [sflag:s10], $0x13C0  }
0x87: {  	[sflag:s10] =	ssyncset.done $0x0  }
0x88: {  	[sflag:s10] =	ssyncadd.s32 $0xFFFFEC40  }
0x89: {  	_ =	sfence.sel $0x180000  }
0x8a: {  	[bflag:$0x0] =	sbarrier.arrive $0xFFFF  }
0x8b: {  	_ =	strace $0x9000004A  }
0x8c: {  	s0 =	stileid.u32;
	[bflag:$0x2] =	sbarrier.arrive $0xFFFF  }
0x8d: {  	p0 =	sne.s32 s0, $0x0;
	s0 =	rddreg [dreg:$0x2]  }
0x8e: {  	s0 =	sadd.s32 @!p0 $0x100000, s0  }
0x8f: {  	[sflag:s0] =	ssyncadd.tile.s32 @!p0 $0x1;
	_ =	shalt  }
.Lfunc_end2:
_tile_overlayer_lowered:
.L_overlay_start_2:
0x90: {  	(tag) =	ssettag $0x2  }
0x91: {  	s0 =	rddreg [dreg:$0x0];
	s2 =	stileid.u32  }
0x92: {  	s1 =	rddreg [dreg:$0x1];
	p0 =	sne.s32 s2, $0x0  }
0x93: {  	s3 =	rddreg [dreg:$0x2];
	[bflag:$0x3] =	sbarrier.arrive $0xFFFF;
	s2 =	simm.s32 @!p0 $0x1C09  }
0x94: {  	[timem:s3], [sflag:s2] =	dma.local @!p0 [hbm:s0], s1  }
0x95: {  	s0 =	simm.s32 @!p0 $0x9  }
0x96: {  	_ =	swait.ge @!p0 [sflag:s0], s1  }
0x97: {  	s1 =	ssub.s32 @!p0 $0x0, s1;
	[sflag:s0] =	ssyncset.done @!p0 $0x0  }
0x98: {  	[sflag:s0] =	ssyncadd.s32 @!p0 s1  }
0x99: {  	[bflag:$0x3] =	sbarrier.arrive $0xFFFF  }
0x9a: {  	_ =	shalt  }

// kernel: kernel.7.cloned.1.call-start
scs
__scs_entry_jumppad:
0x0: {  	(pc) =	sbr.rel $0x88, $3  }
0x1: {  	(tag) =	ssettag $0x0;
	lr =	simm.s32 $0x1  }
0x2: {  	[smem:$0x3F9B] =	sst lr;
	_ =	strace $0xD0000000  }
0x3: {  	_ = 	snop  }
0x4: {  	_ = 	snop  }
0x5: {  	_ = 	snop  }
0x6: {  	_ = 	snop  }
0x7: {  	_ = 	snop  }
__scs_overlays_trampoline_lowered:
0x8: {  	[smem:$0x3FAA] =	sst s0  }
0x9: {  	[smem:$0x3FAB] =	sst s1  }
0xa: {  	[smem:$0x3FAC] =	sst s2  }
0xb: {  	[smem:$0x3FAD] =	sst s3  }
0xc: {  	[smem:$0x3FAE] =	sst s4  }
0xd: {  	[smem:$0x3FAF] =	sst s5  }
0xe: {  	[smem:$0x3FB0] =	sst s6  }
0xf: {  	[smem:$0x3FB1] =	sst s7  }
0x10: {  	[smem:$0x3FB2] =	sst s8  }
0x11: {  	[smem:$0x3FB3] =	sst s9;
	s0 =	simm.s32 @!p0 $0x0  }
0x12: {  	s1 =	sld [smem:$0x3F99];
	s0 =	simm.s32 @p0 $0x1  }
0x13: {  	[smem:$0x3FB4] =	sst s0;
	s0 =	simm.s32 @!p1 $0x0  }
0x14: {  	s2 =	sld [smem:$0x3F98];
	s0 =	simm.s32 @p1 $0x1  }
0x15: {  	[smem:$0x3FB5] =	sst s0;
	s0 =	simm.s32 @!p2 $0x0  }
0x16: {  	s3 =	sld [smem:$0x3FDB];
	s0 =	simm.s32 @p2 $0x1  }
0x17: {  	s4 =	simm.s32 $0x1BF5;
	[smem:$0x3FB7] =	sst s0  }
0x18: {  	s0 =	sld [smem:$0x3F9A];
	_ =	swait.ge [sflag:s4], $0x0  }
0x19: {  	s7 =	sld [smem:$0x3F9B]  }
0x1a: {  	s8 =	sadd.s32 $0xFFFFE003, lr  }
0x1b: {  	s9 =	sadd.s32 $0xFFFFFEF7, lr;
	s5 =	simm.s32 $0xFFFFFFFF;
	p2 =	slt.u32 s8, $0xFFFFF086  }
0x1c: {  	p1 =	slt.u32 s9, $0xF7A;
	s5 =	simm.s32 @!p2 $0x0  }
0x1d: {  	s5 =	simm.s32 @p1 $0x1;
	p0 =	seq.s32 s7, s2  }
0x1e: {  	s7 =	smul.u32 @!p0 $0xF7A, s2;
	p2 =	seq.s32 @!p0 s5, $0x0  }
0x1f: {  	s9 =	smul.u32 $0xF7A, s1;
	s8 =	simm.s32 @!p0 $0x1BF5;
	p2 =	por !p2, p0  }
0x20: {  	[sflag:s8] =	ssyncset.s32 @!p0 $0xFFFFF086;
	s6 =	sadd.s32 @!p0 s3, s7;
	s7 =	simm.s32 @!p0 $0x108  }
0x21: {  	s3 =	sadd.s32 s3, s9;
	s6 =	sadd.s32 @!p0 $0x88, s6;
	s7 =	simm.s32 @p2 $0x1082  }
0x22: {  	[simem:s7], [sflag:s8] =	dma.local @!p0 [hbm:s6], $0xF7A  }
0x23: {  	s9 =	sor.u32 $0xD0000000, s2;
	s6 =	simm.s32 $0x108;
	_ =	swait.ge @!p0 [sflag:s8], $0x0  }
0x24: {  	s3 =	sadd.s32 $0x88, s3;
	s6 =	simm.s32 @!p1 $0x1082;
	[sflag:s4] =	ssyncset.s32 $0xFFFFF086  }
0x25: {  	[simem:s6], [sflag:s4] =	dma.local [hbm:s3], $0xF7A  }
0x26: {  	[smem:$0x3F9B] =	sst s1;
	(tag) =	ssettag s2;
	_ =	strace s9  }
0x27: {  	s1 =	sld [smem:$0x3FAB]  }
0x28: {  	s2 =	sld [smem:$0x3FAC]  }
0x29: {  	s4 =	sld [smem:$0x3FAE]  }
0x2a: {  	p0 =	seq.s32 s5, $0x0;
	s5 =	sld [smem:$0x3FAF]  }
0x2b: {  	s6 =	sld [smem:$0x3FB0]  }
0x2c: {  	s7 =	sld [smem:$0x3FB1]  }
0x2d: {  	s3 =	simm.s32 $0x108;
	s8 =	sld [smem:$0x3FB2]  }
0x2e: {  	s3 =	simm.s32 @!p0 $0x1082;
	s9 =	sld [smem:$0x3FB3]  }
0x2f: {  	lr =	sadd.s32 s0, s3;
	s0 =	sld [smem:$0x3FAA]  }
0x30: {  	s3 =	sld [smem:$0x3FAD]  }
0x31: {  	[smem:$0x3FB6] =	sst s10  }
0x32: {  	s10 =	sld [smem:$0x3FB4];
	_ =	sdelay $0x3  }
0x33: {  	p0 =	seq.s32 s10, $0x1;
	s10 =	sld [smem:$0x3FB6];
	_ =	sdelay $0x3  }
0x34: {  	[smem:$0x3FB6] =	sst s10  }
0x35: {  	s10 =	sld [smem:$0x3FB5];
	_ =	sdelay $0x3  }
0x36: {  	p1 =	seq.s32 s10, $0x1;
	s10 =	sld [smem:$0x3FB6];
	_ =	sdelay $0x3  }
0x37: {  	[smem:$0x3FB6] =	sst s10  }
0x38: {  	s10 =	sld [smem:$0x3FB7]  }
0x39: {  	_ = 	snop;
	(pc) =	sbr.ind lr, $3  }
0x3a: {  	_ = 	snop  }
0x3b: {  	_ = 	snop  }
0x3c: {  	p2 =	seq.s32 s10, $0x1;
	s10 =	sld [smem:$0x3FB6]  }
0x3d: {  	_ =	shalt  }
0x3e: {  	_ =	shalt  }
0x3f: {  	_ =	shalt  }
0x40: {  	_ =	shalt  }
0x41: {  	_ =	shalt  }
0x42: {  	_ =	shalt  }
0x43: {  	_ =	shalt  }
0x44: {  	_ =	shalt  }
0x45: {  	_ =	shalt  }
0x46: {  	_ =	shalt  }
0x47: {  	_ =	shalt  }
0x48: {  	_ =	shalt  }
0x49: {  	_ =	shalt  }
0x4a: {  	_ =	shalt  }
0x4b: {  	_ =	shalt  }
0x4c: {  	_ =	shalt  }
0x4d: {  	_ =	shalt  }
0x4e: {  	_ =	shalt  }
0x4f: {  	_ =	shalt  }
0x50: {  	_ =	shalt  }
0x51: {  	_ =	shalt  }
0x52: {  	_ =	shalt  }
0x53: {  	_ =	shalt  }
0x54: {  	_ =	shalt  }
0x55: {  	_ =	shalt  }
0x56: {  	_ =	shalt  }
0x57: {  	_ =	shalt  }
0x58: {  	_ =	shalt  }
0x59: {  	_ =	shalt  }
0x5a: {  	_ =	shalt  }
0x5b: {  	_ =	shalt  }
0x5c: {  	_ =	shalt  }
0x5d: {  	_ =	shalt  }
0x5e: {  	_ =	shalt  }
0x5f: {  	_ =	shalt  }
0x60: {  	_ =	shalt  }
0x61: {  	_ =	shalt  }
0x62: {  	_ =	shalt  }
0x63: {  	_ =	shalt  }
0x64: {  	_ =	shalt  }
0x65: {  	_ =	shalt  }
0x66: {  	_ =	shalt  }
0x67: {  	_ =	shalt  }
0x68: {  	_ =	shalt  }
0x69: {  	_ =	shalt  }
0x6a: {  	_ =	shalt  }
0x6b: {  	_ =	shalt  }
0x6c: {  	_ =	shalt  }
0x6d: {  	_ =	shalt  }
0x6e: {  	_ =	shalt  }
0x6f: {  	_ =	shalt  }
0x70: {  	_ =	shalt  }
0x71: {  	_ =	shalt  }
0x72: {  	_ =	shalt  }
0x73: {  	_ =	shalt  }
0x74: {  	_ =	shalt  }
0x75: {  	_ =	shalt  }
0x76: {  	_ =	shalt  }
0x77: {  	_ =	shalt  }
0x78: {  	_ =	shalt  }
0x79: {  	_ =	shalt  }
0x7a: {  	_ =	shalt  }
0x7b: {  	_ =	shalt  }
0x7c: {  	_ =	shalt  }
0x7d: {  	_ =	shalt  }
0x7e: {  	_ =	shalt  }
0x7f: {  	_ =	shalt  }
0x80: {  	_ =	shalt  }
0x81: {  	_ =	shalt  }
0x82: {  	_ =	shalt  }
0x83: {  	_ =	shalt  }
0x84: {  	_ =	shalt  }
0x85: {  	_ =	shalt  }
0x86: {  	_ =	shalt  }
0x87: {  	_ =	shalt  }
.Lfunc_end0:
.L_simem_size_0:
called_computation_lowered:
.L_overlay_start_0:
0x88: {  	s2 =	sld [smem:$0x3FD9]  }
0x89: {  	s3 =	sld [smem:$0x3FFE];
	_ =	sdelay $0x1  }
0x8a: {  	s1 =	srdreg.scid  }
0x8b: {  	s0 =	sand.u32 $0x1, s1  }
0x8c: {  	s17 =	sshll.u32 s0, $0xA;
	s2 =	sadd.s32 s3, s2  }
0x8d: {  	s2 =	sadd.s32 s2, s17  }
0x8e: {  	[smem:$0x3FC2] =	sst s2  }
0x8f: {  	_ = 	snop  }
0x90: {  	s2 =	sld [smem:$0x3FD0];
	(tm) =	ssettm $0x1  }
0x91: {  	s18 =	sld [smem:$0x3FFB];
	_ =	sdelay $0x3  }
0x92: {  	_ =	strace s18  }
0x93: {  	s3 =	sld [smem:$0x3FFC];
	_ =	sdelay $0x3  }
0x94: {  	_ =	strace s3  }
0x95: {  	s3 =	sld [smem:$0x3FFD];
	_ =	sdelay $0x3  }
0x96: {  	_ =	strace s3  }
0x97: {  	_ =	strace $0x8FFFFFFF  }
0x98: {  	s19 =	sld [smem:$0x3FDB];
	_ =	sdelay $0x1  }
0x99: {  	s4 =	simm.s32 $_scs_section_size  }
0x9a: {  	s5 =	simm.s32 $_size__tile_overlayer_lowered;
	s6 =	simm.s32 $_tile_overlayer_lowered  }
0x9b: {  	s22 =	simm.s32 $0x1BFF;
	s21 =	sshll.u32 s6, $0x1;
	s3 =	sadd.s32 s4, s19  }
0x9c: {  	s7 =	simm.s32 $0x0;
	s20 =	sshll.u32 s5, $0x1;
	s5 =	sadd.s32 s21, s3  }
0x9d: {  	[timem:s7], [sflag:s22] =	dma.local [hbm:s5], s20  }
0x9e: {  	_ =	swait.ge [sflag:s22], s20  }
0x9f: {  	s4 =	ssub.s32 $0x0, s20;
	[sflag:s22] =	ssyncset.done $0x0  }
0xa0: {  	[sflag:s22] =	ssyncadd.s32 s4;
	_ =	sdelay $0x1  }
0xa1: {  	s23 =	simm.s32 $0x1B8B  }
0xa2: {  	_ =	swait.ge [sflag:s23], $0x1  }
0xa3: {  	[sflag:s23] =	ssyncset.done $0x0  }
0xa4: {  	s25 =	simm.s32 $0x1B8E;
	s24 =	sld [smem:$0x3FFE];
	[sflag:s23] =	ssyncadd.s32 $0xFFFFFFFF  }
0xa5: {  	s26 =	simm.s32 $execute0_lowered;
	[smem:$0x3FD2] =	sst s25  }
0xa6: {  	s5 =	sshll.u32 s26, $0x1;
	_ =	strace $0x80000046;
	[dreg:$0x1] =	wrdreg $0xFFFFFFFF  }
0xa7: {  	s28 =	simm.s32 $_size_execute0_lowered;
	s3 =	sadd.s32 s3, s5;
	[dreg:$0x0] =	wrdreg $0x0  }
0xa8: {  	s5 =	sshll.u32 s28, $0x1;
	[dreg:$0x2] =	wrdreg s3  }
0xa9: {  	[dreg:$0x3] =	wrdreg s5  }
0xaa: {  	[dreg:$0x4] =	wrdreg $0xC0  }
0xab: {  	_ =	task [dreg:s7], $0x5FFFF  }
0xac: {  	[dreg:$0x1] =	wrdreg $0xFFFFFFFF  }
0xad: {  	[dreg:$0x0] =	wrdreg $0x60  }
0xae: {  	[dreg:$0x2] =	wrdreg s24  }
0xaf: {  	[dreg:$0x3] =	wrdreg s2  }
0xb0: {  	[dreg:$0x4] =	wrdreg $0x58000  }
0xb1: {  	[dreg:$0x5] =	wrdreg $0x9  }
0xb2: {  	_ =	task.clear_ibuf [dreg:s7], $0x6FFFF;
	_ =	strace $0x90000046  }
0xb3: {  	s29 =	simm.s32 $0x9;
	_ =	strace $0x80000048  }
0xb4: {  	_ =	swait.ge [sflag:s29], $0x1  }
0xb5: {  	[sflag:s29] =	ssyncadd.s32 $0xFFFFFFFF  }
0xb6: {  	_ =	strace $0x90000048  }
0xb7: {  	_ =	sfence  }
0xb8: {  	s30 =	sld [smem:$0x0];
	_ =	sdelay $0x2  }
0xb9: {  	s31 =	sshll.u32 s1, $0xD;
	s1 =	sshrl.u32 s1, $0x2  }
0xba: {  	s3 =	sand.u32 $0x4000, s31;
	s1 =	sadd.s32 s1, s30  }
0xbb: {  	s0 =	sor.u32 s3, s0;
	s1 =	sshll.u32 s1, $0x11  }
0xbc: {  	s0 =	sor.u32 s1, s0  }
0xbd: {  	s0 =	sadd.s32 $0x8F2B, s0  }
0xbe: {  	[sflag:s0] =	ssyncadd.remote.s32 $0x1  }
0xbf: {  	_ =	sfence.sel $0xFFFF  }
0xc0: {  	[dreg:$0x0] =	wrdreg $0xFFFFFFFF;
	(pc) =	sbr.abs _section_cstart, $3  }
0xc1: {  	[dreg:$0x1] =	wrdreg $0xFFFFFFFF  }
0xc2: {  	_ =	task.clear_ibuf [dreg:s7], $0x2FFFF;
	_ =	strace $0x9FFFFFFF  }
0xc3: {  	(tm) =	ssettm $0x7FFFFFFF  }
tec
execute0_lowered:
.L_overlay_start_1:
0x0: {  	(tag) =	ssettag $0x1  }
0x1: {  	s5 =	rddreg [dreg:$0x0]  }
0x2: {  	s2 =	rddreg [dreg:$0x1]  }
0x3: {  	s0 =	srdreg.scid;
	s3 =	rddreg [dreg:$0x2]  }
0x4: {  	s1 =	rddreg [dreg:$0x3];
	s6 =	sand.u32 $0x1, s0  }
0x5: {  	s0 =	stileid.u32;
	s7 =	smul.u32 $0x50000, s6  }
0x6: {  	s4 =	simm.s32 $0x0;
	s13 =	simm.s32 $0x80;
	s8 =	smul.u32 $0x5000, s0  }
0x7: {  	s14 =	simm.s32 $0x1;
	s15 =	simm.s32 $0x0;
	s30 =	smul.u32 $0x2780, s0  }
0x8: {  	[smem:$0x7FF] =	sst s4;
	s9 =	smul.u32 $0x27800, s6;
	s6 =	ssub.s32 $0x2, s6  }
0x9: {  	_ =	strace $0x80000047;
	s31 =	sshll.u32 s0, $0x6;
	s11 =	sshrl.u32 s6, $0x1  }
0xa: {  	s7 =	sadd.s32 s8, s7;
	s10 =	sshrl.u32 s30, $0x3;
	s9 =	sadd.s32 s30, s9  }
0xb: {  	s11 =	ssub.s32 s6, s11;
	s12 =	sadd.s32 s30, s3;
	s7 =	sshrl.u32 s7, $0x3  }
0xc: {  	s10 =	sadd.s32 s10, s5;
	s9 =	sshrl.u32 s9, $0x3;
	s8 =	smax.u32 s11, $0x1  }
0xd: {  	s11 =	sor.u32 $0x1C02, s31;
	s12 =	sshrl.u32 s12, $0x3;
	s7 =	sadd.s32 s7, s5  }
0xe: {  	s9 =	sadd.s32 s9, s5;
	s6 =	sadd.s32 $0x2A600, s10;
	s10 =	simm.s32 $0x5000  }
0xf: {  	s5 =	sadd.s32 $0x2600, s7;
	s7 =	sadd.s32 $0x2F600, s9;
	s9 =	simm.s32 $0x2  }
.LBB2_1:
0x10: {  	[tilespmem:s4], [sflag:$0x2] =	stream.linear.gather [hbm4b:s5+s4], $0x5000, $0x38;
	[tilespmem:$0x7F80] =	vst v63  }
0x11: {  	_ =	swait.ge [sflag:s9], $0x5000  }
0x12: {  	[sflag:s9] =	ssyncset.done $0x0  }
0x13: {  	[sflag:s9] =	ssyncadd.s32 $0xFFFFB000  }
0x14: {  	[tilespmem:s10], [sflag:$0x2] =	stream.linear.gather [hbm4b:s2+s4], $0x800, $0x38;
	[tilespmem:$0x7F80] =	vst v63  }
0x15: {  	_ =	swait.ge [sflag:s9], $0x800  }
0x16: {  	[sflag:s9] =	ssyncset.done $0x0  }
0x17: {  	[sflag:s9] =	ssyncadd.s32 $0xFFFFF800  }
0x18: {  	[spmem:s12], [sflag:s11] =	dma.local [hbm:s6], $0x4F0  }
0x19: {  	_ =	swait.ge [sflag:s9], $0x4F0  }
0x1a: {  	[sflag:s9] =	ssyncset.done $0x0  }
0x1b: {  	[sflag:s9] =	ssyncadd.s32 $0xFFFFFB10  }
0x1c: {  	s16 =	simm.s32 $0x0;
	[bflag:$0x0] =	sbarrier.arrive $0xFFFF  }
0x1d: {  	[spmem:s3] =	stream.indirect.scatter.add.f32 [tilespmem:s10], [sflag:$0x1], $0x10, s16, s13, $0xb8;
	[tilespmem:$0x7F80] =	vst v63  }
0x1e: {  	s24 =	simm.s32 $0x80  }
0x1f: {  	[spmem:s3] =	stream.indirect.scatter.add.f32 [tilespmem:s10], [sflag:$0x1], $0x10, s24, s13, $0xb8;
	[tilespmem:$0x7F80] =	vst v63  }
0x20: {  	s25 =	simm.s32 $0x100  }
0x21: {  	[spmem:s3] =	stream.indirect.scatter.add.f32 [tilespmem:s10], [sflag:$0x1], $0x10, s25, s13, $0xb8;
	[tilespmem:$0x7F80] =	vst v63  }
0x22: {  	s26 =	simm.s32 $0x180  }
0x23: {  	[spmem:s3] =	stream.indirect.scatter.add.f32 [tilespmem:s10], [sflag:$0x1], $0x10, s26, s13, $0xb8;
	[tilespmem:$0x7F80] =	vst v63  }
0x24: {  	s28 =	simm.s32 $0x200  }
0x25: {  	[spmem:s3] =	stream.indirect.scatter.add.f32 [tilespmem:s10], [sflag:$0x1], $0x10, s28, s13, $0xb8;
	[tilespmem:$0x7F80] =	vst v63  }
0x26: {  	s29 =	simm.s32 $0x280  }
0x27: {  	[spmem:s3] =	stream.indirect.scatter.add.f32 [tilespmem:s10], [sflag:$0x1], $0x10, s29, s13, $0xb8;
	[tilespmem:$0x7F80] =	vst v63  }
0x28: {  	s30 =	simm.s32 $0x300  }
0x29: {  	[spmem:s3] =	stream.indirect.scatter.add.f32 [tilespmem:s10], [sflag:$0x1], $0x10, s30, s13, $0xb8;
	[tilespmem:$0x7F80] =	vst v63  }
0x2a: {  	s31 =	simm.s32 $0x380  }
0x2b: {  	[spmem:s3] =	stream.indirect.scatter.add.f32 [tilespmem:s10], [sflag:$0x1], $0x10, s31, s13, $0xb8;
	[tilespmem:$0x7F80] =	vst v63  }
0x2c: {  	_ =	swait.ge [sflag:s14], $0x800  }
0x2d: {  	[sflag:s14] =	ssyncset.done $0x0  }
0x2e: {  	[sflag:s14] =	ssyncadd.s32 $0xFFFFF800  }
0x2f: {  	_ =	swait.ge [sflag:s14], $0x800  }
0x30: {  	[sflag:s14] =	ssyncset.done $0x0  }
0x31: {  	[sflag:s14] =	ssyncadd.s32 $0xFFFFF800  }
0x32: {  	_ =	swait.ge [sflag:s14], $0x800  }
0x33: {  	[sflag:s14] =	ssyncset.done $0x0  }
0x34: {  	[sflag:s14] =	ssyncadd.s32 $0xFFFFF800  }
0x35: {  	_ =	swait.ge [sflag:s14], $0x800  }
0x36: {  	[sflag:s14] =	ssyncset.done $0x0  }
0x37: {  	[sflag:s14] =	ssyncadd.s32 $0xFFFFF800  }
0x38: {  	_ =	swait.ge [sflag:s14], $0x800  }
0x39: {  	[sflag:s14] =	ssyncset.done $0x0  }
0x3a: {  	[sflag:s14] =	ssyncadd.s32 $0xFFFFF800  }
0x3b: {  	_ =	swait.ge [sflag:s14], $0x800  }
0x3c: {  	[sflag:s14] =	ssyncset.done $0x0  }
0x3d: {  	[sflag:s14] =	ssyncadd.s32 $0xFFFFF800  }
0x3e: {  	_ =	swait.ge [sflag:s14], $0x800  }
0x3f: {  	[sflag:s14] =	ssyncset.done $0x0  }
0x40: {  	[sflag:s14] =	ssyncadd.s32 $0xFFFFF800  }
0x41: {  	_ =	swait.ge [sflag:s14], $0x800  }
0x42: {  	s18 =	simm.s32 $0x2000;
	s16 =	simm.s32 $0x1000;
	[sflag:s14] =	ssyncset.done $0x0  }
.LBB2_2:
0x43: {  	s19 =	sshra.s32 s16, $0x2  }
0x44: {  	[sflag:s14] =	ssyncadd.s32 $0xFFFFF800;
	s16 =	smov.u32 s18;
	s17 =	sadd.s32 $0x1000, s18  }
0x45: {  	[spmem:s3] =	stream.indirect.scatter.add.f32 [tilespmem:s10], [sflag:$0x1], $0x10, s19, s13, $0xb8;
	[tilespmem:$0x7F80] =	vst v63  }
0x46: {  	p0 =	sne.s32 s18, $0x13000;
	s18 =	sadd.s32 $0x80, s19  }
0x47: {  	[spmem:s3] =	stream.indirect.scatter.add.f32 [tilespmem:s10], [sflag:$0x1], $0x10, s18, s13, $0xb8;
	[tilespmem:$0x7F80] =	vst v63  }
0x48: {  	s18 =	sadd.s32 $0x100, s19  }
0x49: {  	[spmem:s3] =	stream.indirect.scatter.add.f32 [tilespmem:s10], [sflag:$0x1], $0x10, s18, s13, $0xb8;
	[tilespmem:$0x7F80] =	vst v63  }
0x4a: {  	s18 =	sadd.s32 $0x180, s19  }
0x4b: {  	[spmem:s3] =	stream.indirect.scatter.add.f32 [tilespmem:s10], [sflag:$0x1], $0x10, s18, s13, $0xb8;
	[tilespmem:$0x7F80] =	vst v63  }
0x4c: {  	s18 =	sadd.s32 $0x200, s19  }
0x4d: {  	[spmem:s3] =	stream.indirect.scatter.add.f32 [tilespmem:s10], [sflag:$0x1], $0x10, s18, s13, $0xb8;
	[tilespmem:$0x7F80] =	vst v63  }
0x4e: {  	s18 =	sadd.s32 $0x280, s19  }
0x4f: {  	[spmem:s3] =	stream.indirect.scatter.add.f32 [tilespmem:s10], [sflag:$0x1], $0x10, s18, s13, $0xb8;
	[tilespmem:$0x7F80] =	vst v63  }
0x50: {  	s18 =	sadd.s32 $0x300, s19  }
0x51: {  	[spmem:s3] =	stream.indirect.scatter.add.f32 [tilespmem:s10], [sflag:$0x1], $0x10, s18, s13, $0xb8;
	[tilespmem:$0x7F80] =	vst v63  }
0x52: {  	s18 =	sadd.s32 $0x380, s19  }
0x53: {  	[spmem:s3] =	stream.indirect.scatter.add.f32 [tilespmem:s10], [sflag:$0x1], $0x10, s18, s13, $0xb8;
	[tilespmem:$0x7F80] =	vst v63  }
0x54: {  	_ =	swait.ge [sflag:s14], $0x800  }
0x55: {  	[sflag:s14] =	ssyncset.done $0x0  }
0x56: {  	[sflag:s14] =	ssyncadd.s32 $0xFFFFF800  }
0x57: {  	_ =	swait.ge [sflag:s14], $0x800  }
0x58: {  	[sflag:s14] =	ssyncset.done $0x0  }
0x59: {  	[sflag:s14] =	ssyncadd.s32 $0xFFFFF800  }
0x5a: {  	_ =	swait.ge [sflag:s14], $0x800  }
0x5b: {  	[sflag:s14] =	ssyncset.done $0x0  }
0x5c: {  	[sflag:s14] =	ssyncadd.s32 $0xFFFFF800  }
0x5d: {  	_ =	swait.ge [sflag:s14], $0x800  }
0x5e: {  	[sflag:s14] =	ssyncset.done $0x0  }
0x5f: {  	[sflag:s14] =	ssyncadd.s32 $0xFFFFF800  }
0x60: {  	_ =	swait.ge [sflag:s14], $0x800  }
0x61: {  	[sflag:s14] =	ssyncset.done $0x0  }
0x62: {  	[sflag:s14] =	ssyncadd.s32 $0xFFFFF800  }
0x63: {  	_ =	swait.ge [sflag:s14], $0x800  }
0x64: {  	[sflag:s14] =	ssyncset.done $0x0  }
0x65: {  	[sflag:s14] =	ssyncadd.s32 $0xFFFFF800  }
.Ltmp0:
0x66: {  	_ =	swait.ge [sflag:s14], $0x800;
	(pc) =	sbr.rel @p0 .LBB2_2-.Ltmp0, $4  }
0x67: {  	[sflag:s14] =	ssyncset.done $0x0  }
0x68: {  	[sflag:s14] =	ssyncadd.s32 $0xFFFFF800  }
0x69: {  	_ =	swait.ge [sflag:s14], $0x800  }
0x6a: {  	s18 =	smov.u32 s17;
	[sflag:s14] =	ssyncset.done $0x0  }
0x6b: {  	s16 =	sshra.s32 s16, $0x2;
	[sflag:s14] =	ssyncadd.s32 $0xFFFFF800  }
0x6c: {  	[spmem:s3] =	stream.indirect.scatter.add.f32 [tilespmem:s10], [sflag:$0x1], $0x10, s16, s13, $0xb8;
	[tilespmem:$0x7F80] =	vst v63  }
0x6d: {  	s17 =	sadd.s32 $0x80, s16  }
0x6e: {  	[spmem:s3] =	stream.indirect.scatter.add.f32 [tilespmem:s10], [sflag:$0x1], $0x10, s17, s13, $0xb8;
	[tilespmem:$0x7F80] =	vst v63  }
0x6f: {  	s26 =	sadd.s32 $0x100, s16  }
0x70: {  	[spmem:s3] =	stream.indirect.scatter.add.f32 [tilespmem:s10], [sflag:$0x1], $0x10, s26, s13, $0xb8;
	[tilespmem:$0x7F80] =	vst v63  }
0x71: {  	s28 =	sadd.s32 $0x180, s16  }
0x72: {  	[spmem:s3] =	stream.indirect.scatter.add.f32 [tilespmem:s10], [sflag:$0x1], $0x10, s28, s13, $0xb8;
	[tilespmem:$0x7F80] =	vst v63  }
0x73: {  	s29 =	sadd.s32 $0x200, s16  }
0x74: {  	[spmem:s3] =	stream.indirect.scatter.add.f32 [tilespmem:s10], [sflag:$0x1], $0x10, s29, s13, $0xb8;
	[tilespmem:$0x7F80] =	vst v63  }
0x75: {  	s30 =	sadd.s32 $0x280, s16  }
0x76: {  	[spmem:s3] =	stream.indirect.scatter.add.f32 [tilespmem:s10], [sflag:$0x1], $0x10, s30, s13, $0xb8;
	[tilespmem:$0x7F80] =	vst v63  }
0x77: {  	s31 =	sadd.s32 $0x300, s16  }
0x78: {  	[spmem:s3] =	stream.indirect.scatter.add.f32 [tilespmem:s10], [sflag:$0x1], $0x10, s31, s13, $0xb8;
	[tilespmem:$0x7F80] =	vst v63  }
0x79: {  	s16 =	sadd.s32 $0x380, s16  }
0x7a: {  	[spmem:s3] =	stream.indirect.scatter.add.f32 [tilespmem:s10], [sflag:$0x1], $0x10, s16, s13, $0xb8;
	[tilespmem:$0x7F80] =	vst v63  }
0x7b: {  	_ =	swait.ge [sflag:s14], $0x800  }
0x7c: {  	[sflag:s14] =	ssyncset.done $0x0  }
0x7d: {  	[sflag:s14] =	ssyncadd.s32 $0xFFFFF800  }
0x7e: {  	_ =	swait.ge [sflag:s14], $0x800  }
0x7f: {  	[sflag:s14] =	ssyncset.done $0x0  }
0x80: {  	[sflag:s14] =	ssyncadd.s32 $0xFFFFF800  }
0x81: {  	_ =	swait.ge [sflag:s14], $0x800  }
0x82: {  	[sflag:s14] =	ssyncset.done $0x0  }
0x83: {  	[sflag:s14] =	ssyncadd.s32 $0xFFFFF800  }
0x84: {  	_ =	swait.ge [sflag:s14], $0x800  }
0x85: {  	[sflag:s14] =	ssyncset.done $0x0  }
0x86: {  	[sflag:s14] =	ssyncadd.s32 $0xFFFFF800  }
0x87: {  	_ =	swait.ge [sflag:s14], $0x800  }
0x88: {  	[sflag:s14] =	ssyncset.done $0x0  }
0x89: {  	[sflag:s14] =	ssyncadd.s32 $0xFFFFF800  }
0x8a: {  	_ =	swait.ge [sflag:s14], $0x800  }
0x8b: {  	[sflag:s14] =	ssyncset.done $0x0  }
0x8c: {  	[sflag:s14] =	ssyncadd.s32 $0xFFFFF800  }
0x8d: {  	_ =	swait.ge [sflag:s14], $0x800  }
0x8e: {  	[sflag:s14] =	ssyncset.done $0x0  }
0x8f: {  	[sflag:s14] =	ssyncadd.s32 $0xFFFFF800  }
0x90: {  	_ =	swait.ge [sflag:s14], $0x800  }
0x91: {  	s15 =	sadd.s32 $0x1, s15;
	[sflag:s14] =	ssyncset.done $0x0  }
0x92: {  	p0 =	sne.s32 s15, s8;
	[sflag:s14] =	ssyncadd.s32 $0xFFFFF800  }
.Ltmp1:
0x93: {  	[bflag:$0x0] =	sbarrier.arrive $0xFFFF;
	(pc) =	sbr.rel @p0 .LBB2_1-.Ltmp1, $4  }
0x94: {  	[hbm:s7], [sflag:s11] =	dma.local [spmem:s12], $0x4F0  }
0x95: {  	_ =	swait.ge [sflag:s9], $0x4F0  }
0x96: {  	[sflag:s9] =	ssyncset.done $0x0  }
0x97: {  	[sflag:s9] =	ssyncadd.s32 $0xFFFFFB10  }
0x98: {  	_ =	sfence.sel $0x180000  }
0x99: {  	[bflag:$0x0] =	sbarrier.arrive $0xFFFF  }
0x9a: {  	p0 =	sne.s32 s0, $0x0;
	_ =	strace $0x90000047  }
0x9b: {  	s0 =	sadd.s32 @!p0 $0x100000, s1;
	[bflag:$0x2] =	sbarrier.arrive $0xFFFF  }
0x9c: {  	[sflag:s0] =	ssyncadd.tile.s32 @!p0 $0x1;
	_ =	shalt  }
.Lfunc_end2:
_tile_overlayer_lowered:
.L_overlay_start_2:
0x9d: {  	(tag) =	ssettag $0x2  }
0x9e: {  	s0 =	rddreg [dreg:$0x0];
	s2 =	stileid.u32  }
0x9f: {  	s1 =	rddreg [dreg:$0x1];
	p0 =	sne.s32 s2, $0x0  }
0xa0: {  	s3 =	rddreg [dreg:$0x2];
	[bflag:$0x3] =	sbarrier.arrive $0xFFFF;
	s2 =	simm.s32 @!p0 $0x1C02  }
0xa1: {  	[timem:s3], [sflag:s2] =	dma.local @!p0 [hbm:s0], s1  }
0xa2: {  	s0 =	simm.s32 @!p0 $0x2  }
0xa3: {  	_ =	swait.ge @!p0 [sflag:s0], s1  }
0xa4: {  	s1 =	ssub.s32 @!p0 $0x0, s1;
	[sflag:s0] =	ssyncset.done @!p0 $0x0  }
0xa5: {  	[sflag:s0] =	ssyncadd.s32 @!p0 s1  }
0xa6: {  	[bflag:$0x3] =	sbarrier.arrive $0xFFFF  }
0xa7: {  	_ =	shalt  }

</sc_bundles>
